<compile_context>
chip_gen: v7x
topology: tpu7x:2x2x1
jax: 0.10.2.dev20260603
libtpu: 0.0.44.dev20260713+nightly
codegen_flags: <defaults>
</compile_context>

<pallas_src>
import numpy as np
import jax
import jax.numpy as jnp
from jax.experimental import pallas as pl
from jax.experimental.pallas import tpu as pltpu
from jax.experimental.pallas import tpu_sc as plsc

_B, _C, _H, _W = 2, 96, 64, 64
_P = _H * _W
_K = 16
_OUT_C = 96
_BLK = 256


def _segment_onehots():
    g = int(np.floor(np.sqrt(_K)))
    rows = (np.arange(_H) * g) // _H
    cols = (np.arange(_W) * g) // _W
    seg = (rows[:, None] * g + cols[None, :]).reshape(-1)
    sm = np.zeros((_P, _K), np.float32)
    sm[np.arange(_P), seg] = 1.0
    sg = sm.T.copy()
    return sg


_SG_NP = _segment_onehots()

_VECTOR_MESH = plsc.VectorSubcoreMesh(
    core_axis_name="core", subcore_axis_name="subcore")


def _block_sums_sc(x_blocks):
    n = x_blocks.shape[0]

    @pl.kernel(out_type=jax.ShapeDtypeStruct((n, _C), jnp.float32),
               mesh=_VECTOR_MESH)
    def sc_kernel(x_hbm, o_hbm):
        def body(in_vmem, out_vmem):
            for c in range(0, _C, 16):
                out_vmem.at[0, pl.ds(c, 16)][...] = jnp.zeros((16,), jnp.float32)

            @pl.loop(0, _BLK)
            def _(r):
                for c in range(0, _C, 16):
                    out_vmem.at[0, pl.ds(c, 16)][...] = (
                        out_vmem.at[0, pl.ds(c, 16)][...]
                        + in_vmem.at[0, r, pl.ds(c, 16)][...])

        pltpu.emit_pipeline(
            body,
            grid=(n,),
            in_specs=[pl.BlockSpec((1, _BLK, _C), lambda i: (i, 0, 0))],
            out_specs=[pl.BlockSpec((1, _C), lambda i: (i, 0))],
            core_axis_name=("core", "subcore"),
            dimension_semantics=(pltpu.PARALLEL,),
        )(x_hbm, o_hbm)

    return sc_kernel(x_blocks)


def _dgfu_tc_kernel(x_ref, sums_ref, w_ref, taps_ref, sg_ref, out_ref):
    x = x_ref[0]
    means_kc = sums_ref[0] * (1.0 / _BLK)

    mw = jnp.dot(means_kc, w_ref[...], preferred_element_type=jnp.float32)
    sq = jnp.sum(mw * mw, axis=1, keepdims=True)
    gram = jnp.dot(mw, mw.T, preferred_element_type=jnp.float32)
    quad = sq + sq.T - 2.0 * gram
    row = jax.lax.broadcasted_iota(jnp.int32, (_K, _K), 0)
    col = jax.lax.broadcasted_iota(jnp.int32, (_K, _K), 1)
    adj = jnp.exp(-quad) * (row != col).astype(jnp.float32)

    am_kc = jnp.dot(adj, means_kc, preferred_element_type=jnp.float32)
    gathered = jnp.dot(am_kc.T, sg_ref[...], preferred_element_type=jnp.float32)
    feat = (x + gathered).astype(jnp.bfloat16)

    pid = jax.lax.broadcasted_iota(jnp.int32, (1, _P), 1)
    wcol = pid & (_W - 1)
    hrow = pid >> 6
    m_top = (hrow != 0).astype(jnp.bfloat16)
    m_bot = (hrow != (_H - 1)).astype(jnp.bfloat16)
    m_lft = (wcol != 0).astype(jnp.float32)
    m_rgt = (wcol != (_W - 1)).astype(jnp.float32)
    taps_bf = taps_ref[...].astype(jnp.bfloat16)

    v = {
        -1: pltpu.roll(feat, _W, axis=1) * m_top,
        0: feat,
        1: pltpu.roll(feat, _P - _W, axis=1) * m_bot,
    }
    acc = jnp.zeros((_OUT_C, _P), jnp.float32)
    for dx in (-1, 0, 1):
        g = jnp.zeros((_OUT_C, _P), jnp.float32)
        for dy in (-1, 0, 1):
            t = (dy + 1) * 3 + (dx + 1)
            g = g + jnp.dot(taps_bf[t], v[dy],
                            preferred_element_type=jnp.float32)
        if dx == -1:
            acc = acc + pltpu.roll(g, 1, axis=1) * m_lft
        elif dx == 1:
            acc = acc + pltpu.roll(g, _P - 1, axis=1) * m_rgt
        else:
            acc = acc + g
    out_ref[0] = acc


def kernel(x, W, conv_w):
    Bn, Cn, Hn, Wd = x.shape
    x_flat = x.reshape(Bn, Cn, Hn * Wd)
    x_blocks = (x.reshape(Bn, Cn, 4, 16, 4, 16)
                .transpose(0, 2, 4, 3, 5, 1)
                .reshape(Bn * _K, _BLK, Cn))
    sums = _block_sums_sc(x_blocks).reshape(Bn, _K, _C)

    taps = conv_w.transpose(2, 3, 0, 1).reshape(9, _OUT_C, _C)
    sg = jnp.asarray(_SG_NP)

    out_flat = pl.pallas_call(
        _dgfu_tc_kernel,
        grid=(Bn,),
        in_specs=[
            pl.BlockSpec((1, _C, _P), lambda b: (b, 0, 0)),
            pl.BlockSpec((1, _K, _C), lambda b: (b, 0, 0)),
            pl.BlockSpec((_C, _C), lambda b: (0, 0)),
            pl.BlockSpec((9, _OUT_C, _C), lambda b: (0, 0, 0)),
            pl.BlockSpec((_K, _P), lambda b: (0, 0)),
        ],
        out_specs=pl.BlockSpec((1, _OUT_C, _P), lambda b: (b, 0, 0)),
        out_shape=jax.ShapeDtypeStruct((Bn, _OUT_C, _P), jnp.float32),
        compiler_params=pltpu.CompilerParams(
            dimension_semantics=("parallel",),
        ),
    )(x_flat, sums, W, taps, sg)
    return out_flat.reshape(Bn, _OUT_C, Hn, Wd)

# --- scband reference (transcript-rebuilt; emitter-appended) ---
"""Pipeline reference for scband-dgfu-90838558310687 (READ-ONLY COPY).

The authoritative reference and input builder live on the scoring server;
editing this copy changes nothing except your own understanding.
"""

import jax, jax.numpy as jnp
import numpy as np

B, C, H, W_DIM = 2, 96, 64, 64
K = 16
OUT_C = 96
KS = 3
PAD = 1

def grid_segments(h, w, k):
    # Deterministic stand-in for SLIC initialization: regular grid superpixels.
    g = int(np.floor(np.sqrt(k)))
    rows = (jnp.arange(h) * g) // h
    cols = (jnp.arange(w) * g) // w
    return (rows[:, None] * g + cols[None, :]).astype(jnp.int32)

def setup_inputs(seed: int = 0):
    key = jax.random.key(seed)
    k1, k2, k3 = jax.random.split(key, 3)
    x = jax.random.normal(k1, (B, C, H, W_DIM), dtype=jnp.float32)
    stdv = 1.0 / np.sqrt(C)
    W = jax.random.uniform(k2, (C, C), minval=-stdv, maxval=stdv, dtype=jnp.float32)
    conv_w = jax.random.normal(k3, (OUT_C, C, KS, KS), dtype=jnp.float32) * 0.05
    return {"x": x, "W": W, "conv_w": conv_w}

def reference(x, W, conv_w):
    Bn, Cn, Hn, Wd = x.shape
    seg = grid_segments(Hn, Wd, K).reshape(-1)  # (P,) int32, values in [0, K)
    P = Hn * Wd
    x_flat = x.reshape(Bn, Cn, P).transpose(0, 2, 1)  # (B, P, C)
    counts = jax.ops.segment_sum(jnp.ones((P,), jnp.float32), seg, num_segments=K)  # (K,)
    sums = jax.vmap(lambda xp: jax.ops.segment_sum(xp, seg, num_segments=K))(x_flat)  # (B, K, C)
    denom = counts + (counts == 0).astype(jnp.float32)
    means = sums / denom[None, :, None]  # (B, K, C) == input_means
    # pairwise differences between block means (quadratic form is symmetric in sign)
    diff = means[:, None, :, :] - means[:, :, None, :]  # (B, K, K, C)
    M = W @ W.T
    quad = jnp.einsum('bpqc,cd,bpqd->bpq', diff, M, diff)
    adj = jnp.exp(-quad)  # (B, K, K)
    adj = adj * (1.0 - jnp.eye(K, dtype=adj.dtype))[None, :, :]  # zero diagonal
    adj_means = jnp.einsum('bij,bjc->bic', adj, means)  # (B, K, C)
    gathered = jnp.take(adj_means, seg, axis=1)  # (B, P, C) gather per-pixel block feature
    features = x + gathered.transpose(0, 2, 1).reshape(Bn, Cn, Hn, Wd)
    out = jax.lax.conv_general_dilated(
        features, conv_w, window_strides=(1, 1),
        padding=((PAD, PAD), (PAD, PAD)),
        dimension_numbers=('NCHW', 'OIHW', 'NCHW'))
    return out

if __name__ == "__main__":
    import jax
    _d = setup_inputs()
    print(jax.jit(kernel)(*tuple(_d.values())))

</pallas_src>

<mosaic_0001>
#map = affine_map<(d0, d1) -> (0, 0, 0)>
#map1 = affine_map<(d0, d1) -> (0, 0)>
module attributes {stable_mosaic.version = 14 : i64} {
  func.func @sc_kernel(%arg0: i32, %arg1: i32, %arg2: memref<32x256x96xf32, #tpu.memory_space<hbm>>, %arg3: memref<32x96xf32, #tpu.memory_space<hbm>>) attributes {dimension_semantics = [#tpu.dimension_semantics<core_parallel>, #tpu.dimension_semantics<subcore_parallel>], iteration_bounds = array<i64: 2, 16>, scalar_prefetch = 0 : i64, scratch_operands = 0 : i64, tpu.core_type = #tpu.core_type<sc_vector_subcore>, window_params = [{transform_indices = #map}, {transform_indices = #map1}]} {
    %mul3A = arith.constant 1 : i32
    %mul3A_0 = arith.muli %arg1, %mul3A : i32
    %add3A = arith.constant 0 : i32
    %add3A_1 = arith.addi %add3A, %mul3A_0 : i32
    %mul3A_2 = arith.constant 16 : i32
    %mul3A_3 = arith.muli %arg0, %mul3A_2 : i32
    %add3A_4 = arith.addi %add3A_1, %mul3A_3 : i32
    %mul3A_5 = arith.constant 1 : i32
    %mul3A_6 = arith.muli %add3A_4, %mul3A_5 : i32
    "tpu.region"() ({
      %run_scoped3A = memref.alloca() : memref<2x1x256x96xf32, #tpu.memory_space<vmem>>
      %run_scoped3A_7 = tpu.sem_alloc : memref<2x!tpu.dma_semaphore, #tpu.memory_space<semaphore_mem>>
      %run_scoped3A_8 = memref.alloca() : memref<2x1x96xf32, #tpu.memory_space<vmem>>
      %run_scoped3A_9 = tpu.sem_alloc : memref<2x!tpu.dma_semaphore, #tpu.memory_space<semaphore_mem>>
      %add3A_10 = arith.constant 0 : i32
      %add3A_11 = arith.addi %add3A_10, %mul3A_6 : i32
      %select_n3A = arith.constant true
      %select_n3A_12 = arith.constant 0 : i32
      %select_n3A_13 = arith.constant -1 : i32
      %select_n3A_14 = arith.select %select_n3A, %select_n3A_13, %select_n3A_12 : i32
      %eq3A = arith.constant -1 : i32
      %eq3A_15 = arith.cmpi eq, %select_n3A_14, %eq3A : i32
      %select_n3A_16 = arith.constant 0 : i32
      %select_n3A_17 = arith.select %eq3A_15, %select_n3A_16, %select_n3A_14 : i32
      %add3A_18 = arith.constant 0 : i32
      %add3A_19 = arith.addi %add3A_18, %mul3A_6 : i32
      %select_n3A_20 = arith.constant true
      %select_n3A_21 = arith.constant 0 : i32
      %select_n3A_22 = arith.constant 1 : i32
      %select_n3A_23 = arith.select %select_n3A_20, %select_n3A_22, %select_n3A_21 : i32
      %eq3A_24 = arith.constant 1 : i32
      %eq3A_25 = arith.cmpi eq, %select_n3A_23, %eq3A_24 : i32
      %select_n3A_26 = arith.constant 0 : i32
      %select_n3A_27 = arith.select %eq3A_25, %select_n3A_26, %select_n3A_23 : i32
      %add3A_28 = arith.constant 0 : i32
      %add3A_29 = arith.addi %add3A_28, %mul3A_6 : i32
      %select_n3A_30 = arith.constant true
      %select_n3A_31 = arith.constant 0 : i32
      %select_n3A_32 = arith.constant 1 : i32
      %select_n3A_33 = arith.select %select_n3A_30, %select_n3A_32, %select_n3A_31 : i32
      %eq3A_34 = arith.constant 1 : i32
      %eq3A_35 = arith.cmpi eq, %select_n3A_33, %eq3A_34 : i32
      %select_n3A_36 = arith.constant 0 : i32
      %select_n3A_37 = arith.select %eq3A_35, %select_n3A_36, %select_n3A_33 : i32
      %add3A_38 = arith.constant 0 : i32
      %add3A_39 = arith.addi %add3A_38, %mul3A_6 : i32
      "tpu.trace_start"() <{level = 10 : i32, message = "ep_initialize_0"}> : () -> ()
      %rem3A = arith.constant 0 : i32
      %rem3A_40 = arith.constant 2 : i32
      %rem3A_41 = arith.remui %rem3A, %rem3A_40 : i32
      %mul3A_42 = arith.constant 1 : i32
      %mul3A_43 = arith.muli %mul3A_42, %add3A_11 : i32
      %dma_start3A = arith.constant 0 : i32
      %dma_start3A_44 = arith.constant 0 : i32
      %dma_start3A_45 = arith.constant 0 : i32
      %dma_start3A_46 = tpu.memref_slice %run_scoped3A[%rem3A_41, %dma_start3A, %dma_start3A_44, %dma_start3A_45] : memref<2x1x256x96xf32, #tpu.memory_space<vmem>> -> memref<1x1x256x96xf32, #tpu.memory_space<vmem>>
      %dma_start3A_47 = tpu.memref_squeeze %dma_start3A_46 : memref<1x1x256x96xf32, #tpu.memory_space<vmem>> -> memref<1x256x96xf32, #tpu.memory_space<vmem>>
      %dma_start3A_48 = arith.constant 0 : i32
      %dma_start3A_49 = arith.constant 0 : i32
      %dma_start3A_50 = tpu.memref_slice %arg2[%mul3A_43, %dma_start3A_48, %dma_start3A_49] : memref<32x256x96xf32, #tpu.memory_space<hbm>> -> memref<1x256x96xf32, #tpu.memory_space<hbm>>
      %dma_start3A_51 = tpu.memref_slice %run_scoped3A_7[%rem3A_41] : memref<2x!tpu.dma_semaphore, #tpu.memory_space<semaphore_mem>> -> memref<1x!tpu.dma_semaphore, #tpu.memory_space<semaphore_mem>>
      %dma_start3A_52 = tpu.memref_squeeze %dma_start3A_51 : memref<1x!tpu.dma_semaphore, #tpu.memory_space<semaphore_mem>> -> memref<!tpu.dma_semaphore, #tpu.memory_space<semaphore_mem>>
      %dma_start3A_53 = arith.constant 0 : i32
      %dma_start3A_54 = arith.constant 0 : i32
      %dma_start3A_55 = arith.constant 0 : i32
      %dma_start3A_56 = tpu.memref_slice %run_scoped3A[%rem3A_41, %dma_start3A_53, %dma_start3A_54, %dma_start3A_55] : memref<2x1x256x96xf32, #tpu.memory_space<vmem>> -> memref<1x1x256x96xf32, #tpu.memory_space<vmem>>
      %dma_start3A_57 = tpu.memref_squeeze %dma_start3A_56 : memref<1x1x256x96xf32, #tpu.memory_space<vmem>> -> memref<1x256x96xf32, #tpu.memory_space<vmem>>
      %dma_start3A_58 = arith.constant 0 : i32
      %dma_start3A_59 = arith.constant 0 : i32
      %dma_start3A_60 = tpu.memref_slice %arg2[%mul3A_43, %dma_start3A_58, %dma_start3A_59] : memref<32x256x96xf32, #tpu.memory_space<hbm>> -> memref<1x256x96xf32, #tpu.memory_space<hbm>>
      tpu.enqueue_dma source(%dma_start3A_60 : memref<1x256x96xf32, #tpu.memory_space<hbm>>) target(%dma_start3A_57 : memref<1x256x96xf32, #tpu.memory_space<vmem>>) target_semaphore(%dma_start3A_52 : memref<!tpu.dma_semaphore, #tpu.memory_space<semaphore_mem>>)
      %add3A_61 = arith.constant 0 : i32
      %add3A_62 = arith.constant 1 : i32
      %add3A_63 = arith.addi %add3A_61, %add3A_62 : i32
      %select_n3A_64 = arith.constant true
      %select_n3A_65 = arith.constant 0 : i32
      %select_n3A_66 = arith.select %select_n3A_64, %add3A_63, %select_n3A_65 : i32
      "tpu.trace_stop"() : () -> ()
      %scan3A = arith.constant 0 : i32
      %scan3A_67 = arith.constant 0 : i32
      %scan3A_68 = arith.constant 0 : i32
      %scan3A_69 = arith.constant 0 : i32
      %scan3A_70 = arith.constant 0 : i32
      %eq3A_71 = arith.constant 0 : i32
      %eq3A_72 = arith.cmpi eq, %scan3A_70, %eq3A_71 : i32
      %eq3A_73 = arith.constant 0 : i32
      %eq3A_74 = arith.cmpi eq, %scan3A_70, %eq3A_73 : i32
      %add3A_75 = arith.constant 0 : i32
      %add3A_76 = arith.addi %add3A_75, %mul3A_6 : i32
      %select_n3A_77 = arith.constant true
      %select_n3A_78 = arith.constant 0 : i32
      %select_n3A_79 = arith.constant -1 : i32
      %select_n3A_80 = arith.select %select_n3A_77, %select_n3A_79, %select_n3A_78 : i32
      %eq3A_81 = arith.constant -1 : i32
      %eq3A_82 = arith.cmpi eq, %select_n3A_80, %eq3A_81 : i32
      %select_n3A_83 = arith.constant 0 : i32
      %select_n3A_84 = arith.select %eq3A_82, %select_n3A_83, %select_n3A_80 : i32
      %add3A_85 = arith.constant 0 : i32
      %add3A_86 = arith.addi %add3A_85, %mul3A_6 : i32
      %select_n3A_87 = arith.constant true
      %select_n3A_88 = arith.constant 0 : i32
      %select_n3A_89 = arith.constant 1 : i32
      %select_n3A_90 = arith.select %select_n3A_87, %select_n3A_89, %select_n3A_88 : i32
      %eq3A_91 = arith.constant 1 : i32
      %eq3A_92 = arith.cmpi eq, %select_n3A_90, %eq3A_91 : i32
      %select_n3A_93 = arith.constant 0 : i32
      %select_n3A_94 = arith.select %eq3A_92, %select_n3A_93, %select_n3A_90 : i32
      %add3A_95 = arith.constant 0 : i32
      %add3A_96 = arith.addi %add3A_95, %mul3A_6 : i32
      %select_n3A_97 = arith.constant true
      %select_n3A_98 = arith.constant 0 : i32
      %select_n3A_99 = arith.constant 1 : i32
      %select_n3A_100 = arith.select %select_n3A_97, %select_n3A_99, %select_n3A_98 : i32
      %eq3A_101 = arith.constant 1 : i32
      %eq3A_102 = arith.cmpi eq, %select_n3A_100, %eq3A_101 : i32
      %select_n3A_103 = arith.constant 0 : i32
      %select_n3A_104 = arith.select %eq3A_102, %select_n3A_103, %select_n3A_100 : i32
      %add3A_105 = arith.constant 0 : i32
      %add3A_106 = arith.addi %add3A_105, %mul3A_6 : i32
      %ne3A = arith.cmpi ne, %add3A_76, %add3A_96 : i32
      %or3A = arith.constant false
      %or3A_107 = arith.ori %or3A, %ne3A : i1
      %or3A_108 = arith.constant false
      %or3A_109 = arith.ori %or3A_107, %or3A_108 : i1
      %or3A_110 = arith.constant false
      %or3A_111 = arith.ori %or3A_109, %or3A_110 : i1
      %ge3A = arith.constant 0 : i32
      %ge3A_112 = arith.cmpi sge, %scan3A_70, %ge3A : i32
      %not3A = arith.constant true
      %not3A_113 = arith.xori %ge3A_112, %not3A : i1
      %and3A = arith.andi %or3A_111, %not3A_113 : i1
      %convert_element_type3A = arith.extui %and3A : i1 to i32
      %cond3A = arith.constant 0 : i32
      %cond3A_114 = arith.cmpi ne, %convert_element_type3A, %cond3A : i32
      scf.if %cond3A_114 {
        "tpu.trace_start"() <{level = 10 : i32, message = "ep_copy_in"}> : () -> ()
        %rem3A_364 = arith.constant 2 : i32
        %rem3A_365 = arith.remui %select_n3A_66, %rem3A_364 : i32
        %mul3A_366 = arith.constant 1 : i32
        %mul3A_367 = arith.muli %mul3A_366, %add3A_96 : i32
        %dma_start3A_368 = arith.constant 0 : i32
        %dma_start3A_369 = arith.constant 0 : i32
        %dma_start3A_370 = arith.constant 0 : i32
        %dma_start3A_371 = tpu.memref_slice %run_scoped3A[%rem3A_365, %dma_start3A_368, %dma_start3A_369, %dma_start3A_370] : memref<2x1x256x96xf32, #tpu.memory_space<vmem>> -> memref<1x1x256x96xf32, #tpu.memory_space<vmem>>
        %dma_start3A_372 = tpu.memref_squeeze %dma_start3A_371 : memref<1x1x256x96xf32, #tpu.memory_space<vmem>> -> memref<1x256x96xf32, #tpu.memory_space<vmem>>
        %dma_start3A_373 = arith.constant 0 : i32
        %dma_start3A_374 = arith.constant 0 : i32
        %dma_start3A_375 = tpu.memref_slice %arg2[%mul3A_367, %dma_start3A_373, %dma_start3A_374] : memref<32x256x96xf32, #tpu.memory_space<hbm>> -> memref<1x256x96xf32, #tpu.memory_space<hbm>>
        %dma_start3A_376 = tpu.memref_slice %run_scoped3A_7[%rem3A_365] : memref<2x!tpu.dma_semaphore, #tpu.memory_space<semaphore_mem>> -> memref<1x!tpu.dma_semaphore, #tpu.memory_space<semaphore_mem>>
        %dma_start3A_377 = tpu.memref_squeeze %dma_start3A_376 : memref<1x!tpu.dma_semaphore, #tpu.memory_space<semaphore_mem>> -> memref<!tpu.dma_semaphore, #tpu.memory_space<semaphore_mem>>
        %dma_start3A_378 = arith.constant 0 : i32
        %dma_start3A_379 = arith.constant 0 : i32
        %dma_start3A_380 = arith.constant 0 : i32
        %dma_start3A_381 = tpu.memref_slice %run_scoped3A[%rem3A_365, %dma_start3A_378, %dma_start3A_379, %dma_start3A_380] : memref<2x1x256x96xf32, #tpu.memory_space<vmem>> -> memref<1x1x256x96xf32, #tpu.memory_space<vmem>>
        %dma_start3A_382 = tpu.memref_squeeze %dma_start3A_381 : memref<1x1x256x96xf32, #tpu.memory_space<vmem>> -> memref<1x256x96xf32, #tpu.memory_space<vmem>>
        %dma_start3A_383 = arith.constant 0 : i32
        %dma_start3A_384 = arith.constant 0 : i32
        %dma_start3A_385 = tpu.memref_slice %arg2[%mul3A_367, %dma_start3A_383, %dma_start3A_384] : memref<32x256x96xf32, #tpu.memory_space<hbm>> -> memref<1x256x96xf32, #tpu.memory_space<hbm>>
        tpu.enqueue_dma source(%dma_start3A_385 : memref<1x256x96xf32, #tpu.memory_space<hbm>>) target(%dma_start3A_382 : memref<1x256x96xf32, #tpu.memory_space<vmem>>) target_semaphore(%dma_start3A_377 : memref<!tpu.dma_semaphore, #tpu.memory_space<semaphore_mem>>)
        "tpu.trace_stop"() : () -> ()
      } else {
      }
      %and3A_115 = arith.constant true
      %and3A_116 = arith.andi %and3A, %and3A_115 : i1
      %add3A_117 = arith.constant 1 : i32
      %add3A_118 = arith.addi %select_n3A_66, %add3A_117 : i32
      %select_n3A_119 = arith.select %and3A_116, %add3A_118, %select_n3A_66 : i32
      %ne3A_120 = arith.cmpi ne, %add3A_76, %add3A_96 : i32
      %or3A_121 = arith.constant false
      %or3A_122 = arith.ori %or3A_121, %ne3A_120 : i1
      %or3A_123 = arith.constant false
      %or3A_124 = arith.ori %or3A_122, %or3A_123 : i1
      %ge3A_125 = arith.constant 0 : i32
      %ge3A_126 = arith.cmpi sge, %scan3A_70, %ge3A_125 : i32
      %not3A_127 = arith.constant true
      %not3A_128 = arith.xori %ge3A_126, %not3A_127 : i1
      %and3A_129 = arith.andi %or3A_124, %not3A_128 : i1
      %ne3A_130 = arith.cmpi ne, %add3A_76, %add3A_86 : i32
      %or3A_131 = arith.constant false
      %or3A_132 = arith.ori %or3A_131, %ne3A_130 : i1
      %or3A_133 = arith.constant false
      %or3A_134 = arith.ori %or3A_132, %or3A_133 : i1
      %or3A_135 = arith.constant false
      %or3A_136 = arith.ori %or3A_134, %or3A_135 : i1
      %or3A_137 = arith.ori %or3A_136, %eq3A_72 : i1
      %convert_element_type3A_138 = arith.extui %or3A_137 : i1 to i32
      %cond3A_139 = arith.constant 0 : i32
      %cond3A_140 = arith.cmpi ne, %convert_element_type3A_138, %cond3A_139 : i32
      scf.if %cond3A_140 {
        "tpu.trace_start"() <{level = 10 : i32, message = "ep_wait_in"}> : () -> ()
        %mul3A_364 = arith.constant 1 : i32
        %mul3A_365 = arith.muli %mul3A_364, %add3A_76 : i32
        %rem3A_366 = arith.constant 2 : i32
        %rem3A_367 = arith.remui %scan3A, %rem3A_366 : i32
        %dma_wait3A_368 = arith.constant 0 : i32
        %dma_wait3A_369 = arith.constant 0 : i32
        %dma_wait3A_370 = arith.constant 0 : i32
        %dma_wait3A_371 = tpu.memref_slice %run_scoped3A[%rem3A_367, %dma_wait3A_368, %dma_wait3A_369, %dma_wait3A_370] : memref<2x1x256x96xf32, #tpu.memory_space<vmem>> -> memref<1x1x256x96xf32, #tpu.memory_space<vmem>>
        %dma_wait3A_372 = tpu.memref_squeeze %dma_wait3A_371 : memref<1x1x256x96xf32, #tpu.memory_space<vmem>> -> memref<1x256x96xf32, #tpu.memory_space<vmem>>
        %dma_wait3A_373 = arith.constant 0 : i32
        %dma_wait3A_374 = arith.constant 0 : i32
        %dma_wait3A_375 = tpu.memref_slice %arg2[%mul3A_365, %dma_wait3A_373, %dma_wait3A_374] : memref<32x256x96xf32, #tpu.memory_space<hbm>> -> memref<1x256x96xf32, #tpu.memory_space<hbm>>
        %dma_wait3A_376 = tpu.memref_slice %run_scoped3A_7[%rem3A_367] : memref<2x!tpu.dma_semaphore, #tpu.memory_space<semaphore_mem>> -> memref<1x!tpu.dma_semaphore, #tpu.memory_space<semaphore_mem>>
        %dma_wait3A_377 = tpu.memref_squeeze %dma_wait3A_376 : memref<1x!tpu.dma_semaphore, #tpu.memory_space<semaphore_mem>> -> memref<!tpu.dma_semaphore, #tpu.memory_space<semaphore_mem>>
        %dma_wait3A_378 = arith.constant 0 : i32
        %dma_wait3A_379 = arith.constant 0 : i32
        %dma_wait3A_380 = arith.constant 0 : i32
        %dma_wait3A_381 = tpu.memref_slice %run_scoped3A[%rem3A_367, %dma_wait3A_378, %dma_wait3A_379, %dma_wait3A_380] : memref<2x1x256x96xf32, #tpu.memory_space<vmem>> -> memref<1x1x256x96xf32, #tpu.memory_space<vmem>>
        %dma_wait3A_382 = tpu.memref_squeeze %dma_wait3A_381 : memref<1x1x256x96xf32, #tpu.memory_space<vmem>> -> memref<1x256x96xf32, #tpu.memory_space<vmem>>
        %dma_wait3A_383 = arith.constant 0 : i32
        %dma_wait3A_384 = arith.constant 0 : i32
        %dma_wait3A_385 = tpu.memref_slice %arg2[%mul3A_365, %dma_wait3A_383, %dma_wait3A_384] : memref<32x256x96xf32, #tpu.memory_space<hbm>> -> memref<1x256x96xf32, #tpu.memory_space<hbm>>
        tpu.wait_dma2 semaphore(%dma_wait3A_377 : memref<!tpu.dma_semaphore, #tpu.memory_space<semaphore_mem>>) src(%dma_wait3A_385 : memref<1x256x96xf32, #tpu.memory_space<hbm>>) dst(%dma_wait3A_382 : memref<1x256x96xf32, #tpu.memory_space<vmem>>)
        "tpu.trace_stop"() : () -> ()
      } else {
      }
      %ne3A_141 = arith.cmpi ne, %add3A_76, %add3A_86 : i32
      %or3A_142 = arith.constant false
      %or3A_143 = arith.ori %or3A_142, %ne3A_141 : i1
      %or3A_144 = arith.constant false
      %or3A_145 = arith.ori %or3A_143, %or3A_144 : i1
      %or3A_146 = arith.ori %or3A_145, %eq3A_72 : i1
      %convert_element_type3A_147 = arith.extui %or3A_146 : i1 to i32
      %cond3A_148 = arith.constant 0 : i32
      %cond3A_149 = arith.cmpi ne, %convert_element_type3A_147, %cond3A_148 : i32
      scf.if %cond3A_149 {
      } else {
      }
      %rem3A_150 = arith.constant 2 : i32
      %rem3A_151 = arith.remui %scan3A, %rem3A_150 : i32
      %rem3A_152 = arith.constant 2 : i32
      %rem3A_153 = arith.remui %scan3A_67, %rem3A_152 : i32
      %broadcast_in_dim3A = arith.constant 0.000000e+00 : f32
      "tpu.trace_start"() <{level = 10 : i32, message = "ep_run_kernel"}> : () -> ()
      %broadcast_in_dim3A_154 = vector.broadcast %broadcast_in_dim3A : f32 to vector<16xf32>
      %swap3A = arith.constant 0 : i32
      %swap3A_155 = arith.constant 0 : i32
      %swap3A_156 = arith.constant 0 : i32
      %swap3A_157 = tpu.memref_slice %run_scoped3A_8[%rem3A_153, %swap3A_155, %swap3A_156] : memref<2x1x96xf32, #tpu.memory_space<vmem>> -> memref<1x1x96xf32, #tpu.memory_space<vmem>>
      %swap3A_158 = tpu.memref_squeeze %swap3A_157 : memref<1x1x96xf32, #tpu.memory_space<vmem>> -> memref<1x96xf32, #tpu.memory_space<vmem>>
      %swap3A_159 = arith.index_cast %swap3A : i32 to index
      %swap3A_160 = arith.constant 0 : index
      %swap3A_161 = tpu.vector_load %swap3A_158[%swap3A_159, %swap3A_160] {strides = array<i32>} : memref<1x96xf32, #tpu.memory_space<vmem>>, vector<1x16xf32>,
      %swap3A_162 = vector.shape_cast %swap3A_161 : vector<1x16xf32> to vector<16xf32>
      %swap3A_163 = vector.shape_cast %broadcast_in_dim3A_154 : vector<16xf32> to vector<1x16xf32>
      tpu.vector_store %swap3A_158[%swap3A_159, %swap3A_160], %swap3A_163 {strides = array<i32>} : memref<1x96xf32, #tpu.memory_space<vmem>>, vector<1x16xf32>,
      %broadcast_in_dim3A_164 = arith.constant 0.000000e+00 : f32
      %broadcast_in_dim3A_165 = vector.broadcast %broadcast_in_dim3A_164 : f32 to vector<16xf32>
      %swap3A_166 = arith.constant 0 : i32
      %swap3A_167 = arith.constant 0 : i32
      %swap3A_168 = arith.constant 0 : i32
      %swap3A_169 = tpu.memref_slice %run_scoped3A_8[%rem3A_153, %swap3A_167, %swap3A_168] : memref<2x1x96xf32, #tpu.memory_space<vmem>> -> memref<1x1x96xf32, #tpu.memory_space<vmem>>
      %swap3A_170 = tpu.memref_squeeze %swap3A_169 : memref<1x1x96xf32, #tpu.memory_space<vmem>> -> memref<1x96xf32, #tpu.memory_space<vmem>>
      %swap3A_171 = arith.index_cast %swap3A_166 : i32 to index
      %swap3A_172 = arith.constant 16 : index
      %swap3A_173 = tpu.vector_load %swap3A_170[%swap3A_171, %swap3A_172] {strides = array<i32>} : memref<1x96xf32, #tpu.memory_space<vmem>>, vector<1x16xf32>,
      %swap3A_174 = vector.shape_cast %swap3A_173 : vector<1x16xf32> to vector<16xf32>
      %swap3A_175 = vector.shape_cast %broadcast_in_dim3A_165 : vector<16xf32> to vector<1x16xf32>
      tpu.vector_store %swap3A_170[%swap3A_171, %swap3A_172], %swap3A_175 {strides = array<i32>} : memref<1x96xf32, #tpu.memory_space<vmem>>, vector<1x16xf32>,
      %broadcast_in_dim3A_176 = arith.constant 0.000000e+00 : f32
      %broadcast_in_dim3A_177 = vector.broadcast %broadcast_in_dim3A_176 : f32 to vector<16xf32>
      %swap3A_178 = arith.constant 0 : i32
      %swap3A_179 = arith.constant 0 : i32
      %swap3A_180 = arith.constant 0 : i32
      %swap3A_181 = tpu.memref_slice %run_scoped3A_8[%rem3A_153, %swap3A_179, %swap3A_180] : memref<2x1x96xf32, #tpu.memory_space<vmem>> -> memref<1x1x96xf32, #tpu.memory_space<vmem>>
      %swap3A_182 = tpu.memref_squeeze %swap3A_181 : memref<1x1x96xf32, #tpu.memory_space<vmem>> -> memref<1x96xf32, #tpu.memory_space<vmem>>
      %swap3A_183 = arith.index_cast %swap3A_178 : i32 to index
      %swap3A_184 = arith.constant 32 : index
      %swap3A_185 = tpu.vector_load %swap3A_182[%swap3A_183, %swap3A_184] {strides = array<i32>} : memref<1x96xf32, #tpu.memory_space<vmem>>, vector<1x16xf32>,
      %swap3A_186 = vector.shape_cast %swap3A_185 : vector<1x16xf32> to vector<16xf32>
      %swap3A_187 = vector.shape_cast %broadcast_in_dim3A_177 : vector<16xf32> to vector<1x16xf32>
      tpu.vector_store %swap3A_182[%swap3A_183, %swap3A_184], %swap3A_187 {strides = array<i32>} : memref<1x96xf32, #tpu.memory_space<vmem>>, vector<1x16xf32>,
      %broadcast_in_dim3A_188 = arith.constant 0.000000e+00 : f32
      %broadcast_in_dim3A_189 = vector.broadcast %broadcast_in_dim3A_188 : f32 to vector<16xf32>
      %swap3A_190 = arith.constant 0 : i32
      %swap3A_191 = arith.constant 0 : i32
      %swap3A_192 = arith.constant 0 : i32
      %swap3A_193 = tpu.memref_slice %run_scoped3A_8[%rem3A_153, %swap3A_191, %swap3A_192] : memref<2x1x96xf32, #tpu.memory_space<vmem>> -> memref<1x1x96xf32, #tpu.memory_space<vmem>>
      %swap3A_194 = tpu.memref_squeeze %swap3A_193 : memref<1x1x96xf32, #tpu.memory_space<vmem>> -> memref<1x96xf32, #tpu.memory_space<vmem>>
      %swap3A_195 = arith.index_cast %swap3A_190 : i32 to index
      %swap3A_196 = arith.constant 48 : index
      %swap3A_197 = tpu.vector_load %swap3A_194[%swap3A_195, %swap3A_196] {strides = array<i32>} : memref<1x96xf32, #tpu.memory_space<vmem>>, vector<1x16xf32>,
      %swap3A_198 = vector.shape_cast %swap3A_197 : vector<1x16xf32> to vector<16xf32>
      %swap3A_199 = vector.shape_cast %broadcast_in_dim3A_189 : vector<16xf32> to vector<1x16xf32>
      tpu.vector_store %swap3A_194[%swap3A_195, %swap3A_196], %swap3A_199 {strides = array<i32>} : memref<1x96xf32, #tpu.memory_space<vmem>>, vector<1x16xf32>,
      %broadcast_in_dim3A_200 = arith.constant 0.000000e+00 : f32
      %broadcast_in_dim3A_201 = vector.broadcast %broadcast_in_dim3A_200 : f32 to vector<16xf32>
      %swap3A_202 = arith.constant 0 : i32
      %swap3A_203 = arith.constant 0 : i32
      %swap3A_204 = arith.constant 0 : i32
      %swap3A_205 = tpu.memref_slice %run_scoped3A_8[%rem3A_153, %swap3A_203, %swap3A_204] : memref<2x1x96xf32, #tpu.memory_space<vmem>> -> memref<1x1x96xf32, #tpu.memory_space<vmem>>
      %swap3A_206 = tpu.memref_squeeze %swap3A_205 : memref<1x1x96xf32, #tpu.memory_space<vmem>> -> memref<1x96xf32, #tpu.memory_space<vmem>>
      %swap3A_207 = arith.index_cast %swap3A_202 : i32 to index
      %swap3A_208 = arith.constant 64 : index
      %swap3A_209 = tpu.vector_load %swap3A_206[%swap3A_207, %swap3A_208] {strides = array<i32>} : memref<1x96xf32, #tpu.memory_space<vmem>>, vector<1x16xf32>,
      %swap3A_210 = vector.shape_cast %swap3A_209 : vector<1x16xf32> to vector<16xf32>
      %swap3A_211 = vector.shape_cast %broadcast_in_dim3A_201 : vector<16xf32> to vector<1x16xf32>
      tpu.vector_store %swap3A_206[%swap3A_207, %swap3A_208], %swap3A_211 {strides = array<i32>} : memref<1x96xf32, #tpu.memory_space<vmem>>, vector<1x16xf32>,
      %broadcast_in_dim3A_212 = arith.constant 0.000000e+00 : f32
      %broadcast_in_dim3A_213 = vector.broadcast %broadcast_in_dim3A_212 : f32 to vector<16xf32>
      %swap3A_214 = arith.constant 0 : i32
      %swap3A_215 = arith.constant 0 : i32
      %swap3A_216 = arith.constant 0 : i32
      %swap3A_217 = tpu.memref_slice %run_scoped3A_8[%rem3A_153, %swap3A_215, %swap3A_216] : memref<2x1x96xf32, #tpu.memory_space<vmem>> -> memref<1x1x96xf32, #tpu.memory_space<vmem>>
      %swap3A_218 = tpu.memref_squeeze %swap3A_217 : memref<1x1x96xf32, #tpu.memory_space<vmem>> -> memref<1x96xf32, #tpu.memory_space<vmem>>
      %swap3A_219 = arith.index_cast %swap3A_214 : i32 to index
      %swap3A_220 = arith.constant 80 : index
      %swap3A_221 = tpu.vector_load %swap3A_218[%swap3A_219, %swap3A_220] {strides = array<i32>} : memref<1x96xf32, #tpu.memory_space<vmem>>, vector<1x16xf32>,
      %swap3A_222 = vector.shape_cast %swap3A_221 : vector<1x16xf32> to vector<16xf32>
      %swap3A_223 = vector.shape_cast %broadcast_in_dim3A_213 : vector<16xf32> to vector<1x16xf32>
      tpu.vector_store %swap3A_218[%swap3A_219, %swap3A_220], %swap3A_223 {strides = array<i32>} : memref<1x96xf32, #tpu.memory_space<vmem>>, vector<1x16xf32>,
      %scan3A_224 = arith.constant 0 : i32
      %scan3A_225 = arith.constant 256 : i32
      %scan3A_226 = arith.addi %scan3A_224, %scan3A_225 : i32
      %scan3A_227 = arith.constant 1 : i32
      scf.for %scan3A_364 = %scan3A_224 to %scan3A_226 step %scan3A_227  : i32 {
        %mul3A_365 = arith.constant 1 : i32
        %mul3A_366 = arith.muli %scan3A_364, %mul3A_365 : i32
        %add3A_367 = arith.constant 0 : i32
        %add3A_368 = arith.addi %add3A_367, %mul3A_366 : i32
        %get3A = arith.constant 0 : i32
        %get3A_369 = arith.constant 0 : i32
        %get3A_370 = arith.constant 0 : i32
        %get3A_371 = tpu.memref_slice %run_scoped3A_8[%rem3A_153, %get3A_369, %get3A_370] : memref<2x1x96xf32, #tpu.memory_space<vmem>> -> memref<1x1x96xf32, #tpu.memory_space<vmem>>
        %get3A_372 = tpu.memref_squeeze %get3A_371 : memref<1x1x96xf32, #tpu.memory_space<vmem>> -> memref<1x96xf32, #tpu.memory_space<vmem>>
        %get3A_373 = arith.index_cast %get3A : i32 to index
        %get3A_374 = arith.constant 0 : index
        %get3A_375 = tpu.vector_load %get3A_372[%get3A_373, %get3A_374] {strides = array<i32>} : memref<1x96xf32, #tpu.memory_space<vmem>>, vector<1x16xf32>,
        %get3A_376 = vector.shape_cast %get3A_375 : vector<1x16xf32> to vector<16xf32>
        %get3A_377 = arith.constant 0 : i32
        %get3A_378 = arith.constant 0 : i32
        %get3A_379 = arith.constant 0 : i32
        %get3A_380 = arith.constant 0 : i32
        %get3A_381 = tpu.memref_slice %run_scoped3A[%rem3A_151, %get3A_378, %get3A_379, %get3A_380] : memref<2x1x256x96xf32, #tpu.memory_space<vmem>> -> memref<1x1x256x96xf32, #tpu.memory_space<vmem>>
        %get3A_382 = tpu.memref_squeeze %get3A_381 : memref<1x1x256x96xf32, #tpu.memory_space<vmem>> -> memref<1x256x96xf32, #tpu.memory_space<vmem>>
        %get3A_383 = arith.index_cast %get3A_377 : i32 to index
        %get3A_384 = arith.index_cast %add3A_368 : i32 to index
        %get3A_385 = arith.constant 0 : index
        %get3A_386 = tpu.vector_load %get3A_382[%get3A_383, %get3A_384, %get3A_385] {strides = array<i32>} : memref<1x256x96xf32, #tpu.memory_space<vmem>>, vector<1x1x16xf32>,
        %get3A_387 = vector.shape_cast %get3A_386 : vector<1x1x16xf32> to vector<16xf32>
        %add3A_388 = arith.addf %get3A_376, %get3A_387 : vector<16xf32>
        %swap3A_389 = arith.constant 0 : i32
        %swap3A_390 = arith.constant 0 : i32
        %swap3A_391 = arith.constant 0 : i32
        %swap3A_392 = tpu.memref_slice %run_scoped3A_8[%rem3A_153, %swap3A_390, %swap3A_391] : memref<2x1x96xf32, #tpu.memory_space<vmem>> -> memref<1x1x96xf32, #tpu.memory_space<vmem>>
        %swap3A_393 = tpu.memref_squeeze %swap3A_392 : memref<1x1x96xf32, #tpu.memory_space<vmem>> -> memref<1x96xf32, #tpu.memory_space<vmem>>
        %swap3A_394 = arith.index_cast %swap3A_389 : i32 to index
        %swap3A_395 = arith.constant 0 : index
        %swap3A_396 = tpu.vector_load %swap3A_393[%swap3A_394, %swap3A_395] {strides = array<i32>} : memref<1x96xf32, #tpu.memory_space<vmem>>, vector<1x16xf32>,
        %swap3A_397 = vector.shape_cast %swap3A_396 : vector<1x16xf32> to vector<16xf32>
        %swap3A_398 = vector.shape_cast %add3A_388 : vector<16xf32> to vector<1x16xf32>
        tpu.vector_store %swap3A_393[%swap3A_394, %swap3A_395], %swap3A_398 {strides = array<i32>} : memref<1x96xf32, #tpu.memory_space<vmem>>, vector<1x16xf32>,
        %get3A_399 = arith.constant 0 : i32
        %get3A_400 = arith.constant 0 : i32
        %get3A_401 = arith.constant 0 : i32
        %get3A_402 = tpu.memref_slice %run_scoped3A_8[%rem3A_153, %get3A_400, %get3A_401] : memref<2x1x96xf32, #tpu.memory_space<vmem>> -> memref<1x1x96xf32, #tpu.memory_space<vmem>>
        %get3A_403 = tpu.memref_squeeze %get3A_402 : memref<1x1x96xf32, #tpu.memory_space<vmem>> -> memref<1x96xf32, #tpu.memory_space<vmem>>
        %get3A_404 = arith.index_cast %get3A_399 : i32 to index
        %get3A_405 = arith.constant 16 : index
        %get3A_406 = tpu.vector_load %get3A_403[%get3A_404, %get3A_405] {strides = array<i32>} : memref<1x96xf32, #tpu.memory_space<vmem>>, vector<1x16xf32>,
        %get3A_407 = vector.shape_cast %get3A_406 : vector<1x16xf32> to vector<16xf32>
        %get3A_408 = arith.constant 0 : i32
        %get3A_409 = arith.constant 0 : i32
        %get3A_410 = arith.constant 0 : i32
        %get3A_411 = arith.constant 0 : i32
        %get3A_412 = tpu.memref_slice %run_scoped3A[%rem3A_151, %get3A_409, %get3A_410, %get3A_411] : memref<2x1x256x96xf32, #tpu.memory_space<vmem>> -> memref<1x1x256x96xf32, #tpu.memory_space<vmem>>
        %get3A_413 = tpu.memref_squeeze %get3A_412 : memref<1x1x256x96xf32, #tpu.memory_space<vmem>> -> memref<1x256x96xf32, #tpu.memory_space<vmem>>
        %get3A_414 = arith.index_cast %get3A_408 : i32 to index
        %get3A_415 = arith.index_cast %add3A_368 : i32 to index
        %get3A_416 = arith.constant 16 : index
        %get3A_417 = tpu.vector_load %get3A_413[%get3A_414, %get3A_415, %get3A_416] {strides = array<i32>} : memref<1x256x96xf32, #tpu.memory_space<vmem>>, vector<1x1x16xf32>,
        %get3A_418 = vector.shape_cast %get3A_417 : vector<1x1x16xf32> to vector<16xf32>
        %add3A_419 = arith.addf %get3A_407, %get3A_418 : vector<16xf32>
        %swap3A_420 = arith.constant 0 : i32
        %swap3A_421 = arith.constant 0 : i32
        %swap3A_422 = arith.constant 0 : i32
        %swap3A_423 = tpu.memref_slice %run_scoped3A_8[%rem3A_153, %swap3A_421, %swap3A_422] : memref<2x1x96xf32, #tpu.memory_space<vmem>> -> memref<1x1x96xf32, #tpu.memory_space<vmem>>
        %swap3A_424 = tpu.memref_squeeze %swap3A_423 : memref<1x1x96xf32, #tpu.memory_space<vmem>> -> memref<1x96xf32, #tpu.memory_space<vmem>>
        %swap3A_425 = arith.index_cast %swap3A_420 : i32 to index
        %swap3A_426 = arith.constant 16 : index
        %swap3A_427 = tpu.vector_load %swap3A_424[%swap3A_425, %swap3A_426] {strides = array<i32>} : memref<1x96xf32, #tpu.memory_space<vmem>>, vector<1x16xf32>,
        %swap3A_428 = vector.shape_cast %swap3A_427 : vector<1x16xf32> to vector<16xf32>
        %swap3A_429 = vector.shape_cast %add3A_419 : vector<16xf32> to vector<1x16xf32>
        tpu.vector_store %swap3A_424[%swap3A_425, %swap3A_426], %swap3A_429 {strides = array<i32>} : memref<1x96xf32, #tpu.memory_space<vmem>>, vector<1x16xf32>,
        %get3A_430 = arith.constant 0 : i32
        %get3A_431 = arith.constant 0 : i32
        %get3A_432 = arith.constant 0 : i32
        %get3A_433 = tpu.memref_slice %run_scoped3A_8[%rem3A_153, %get3A_431, %get3A_432] : memref<2x1x96xf32, #tpu.memory_space<vmem>> -> memref<1x1x96xf32, #tpu.memory_space<vmem>>
        %get3A_434 = tpu.memref_squeeze %get3A_433 : memref<1x1x96xf32, #tpu.memory_space<vmem>> -> memref<1x96xf32, #tpu.memory_space<vmem>>
        %get3A_435 = arith.index_cast %get3A_430 : i32 to index
        %get3A_436 = arith.constant 32 : index
        %get3A_437 = tpu.vector_load %get3A_434[%get3A_435, %get3A_436] {strides = array<i32>} : memref<1x96xf32, #tpu.memory_space<vmem>>, vector<1x16xf32>,
        %get3A_438 = vector.shape_cast %get3A_437 : vector<1x16xf32> to vector<16xf32>
        %get3A_439 = arith.constant 0 : i32
        %get3A_440 = arith.constant 0 : i32
        %get3A_441 = arith.constant 0 : i32
        %get3A_442 = arith.constant 0 : i32
        %get3A_443 = tpu.memref_slice %run_scoped3A[%rem3A_151, %get3A_440, %get3A_441, %get3A_442] : memref<2x1x256x96xf32, #tpu.memory_space<vmem>> -> memref<1x1x256x96xf32, #tpu.memory_space<vmem>>
        %get3A_444 = tpu.memref_squeeze %get3A_443 : memref<1x1x256x96xf32, #tpu.memory_space<vmem>> -> memref<1x256x96xf32, #tpu.memory_space<vmem>>
        %get3A_445 = arith.index_cast %get3A_439 : i32 to index
        %get3A_446 = arith.index_cast %add3A_368 : i32 to index
        %get3A_447 = arith.constant 32 : index
        %get3A_448 = tpu.vector_load %get3A_444[%get3A_445, %get3A_446, %get3A_447] {strides = array<i32>} : memref<1x256x96xf32, #tpu.memory_space<vmem>>, vector<1x1x16xf32>,
        %get3A_449 = vector.shape_cast %get3A_448 : vector<1x1x16xf32> to vector<16xf32>
        %add3A_450 = arith.addf %get3A_438, %get3A_449 : vector<16xf32>
        %swap3A_451 = arith.constant 0 : i32
        %swap3A_452 = arith.constant 0 : i32
        %swap3A_453 = arith.constant 0 : i32
        %swap3A_454 = tpu.memref_slice %run_scoped3A_8[%rem3A_153, %swap3A_452, %swap3A_453] : memref<2x1x96xf32, #tpu.memory_space<vmem>> -> memref<1x1x96xf32, #tpu.memory_space<vmem>>
        %swap3A_455 = tpu.memref_squeeze %swap3A_454 : memref<1x1x96xf32, #tpu.memory_space<vmem>> -> memref<1x96xf32, #tpu.memory_space<vmem>>
        %swap3A_456 = arith.index_cast %swap3A_451 : i32 to index
        %swap3A_457 = arith.constant 32 : index
        %swap3A_458 = tpu.vector_load %swap3A_455[%swap3A_456, %swap3A_457] {strides = array<i32>} : memref<1x96xf32, #tpu.memory_space<vmem>>, vector<1x16xf32>,
        %swap3A_459 = vector.shape_cast %swap3A_458 : vector<1x16xf32> to vector<16xf32>
        %swap3A_460 = vector.shape_cast %add3A_450 : vector<16xf32> to vector<1x16xf32>
        tpu.vector_store %swap3A_455[%swap3A_456, %swap3A_457], %swap3A_460 {strides = array<i32>} : memref<1x96xf32, #tpu.memory_space<vmem>>, vector<1x16xf32>,
        %get3A_461 = arith.constant 0 : i32
        %get3A_462 = arith.constant 0 : i32
        %get3A_463 = arith.constant 0 : i32
        %get3A_464 = tpu.memref_slice %run_scoped3A_8[%rem3A_153, %get3A_462, %get3A_463] : memref<2x1x96xf32, #tpu.memory_space<vmem>> -> memref<1x1x96xf32, #tpu.memory_space<vmem>>
        %get3A_465 = tpu.memref_squeeze %get3A_464 : memref<1x1x96xf32, #tpu.memory_space<vmem>> -> memref<1x96xf32, #tpu.memory_space<vmem>>
        %get3A_466 = arith.index_cast %get3A_461 : i32 to index
        %get3A_467 = arith.constant 48 : index
        %get3A_468 = tpu.vector_load %get3A_465[%get3A_466, %get3A_467] {strides = array<i32>} : memref<1x96xf32, #tpu.memory_space<vmem>>, vector<1x16xf32>,
        %get3A_469 = vector.shape_cast %get3A_468 : vector<1x16xf32> to vector<16xf32>
        %get3A_470 = arith.constant 0 : i32
        %get3A_471 = arith.constant 0 : i32
        %get3A_472 = arith.constant 0 : i32
        %get3A_473 = arith.constant 0 : i32
        %get3A_474 = tpu.memref_slice %run_scoped3A[%rem3A_151, %get3A_471, %get3A_472, %get3A_473] : memref<2x1x256x96xf32, #tpu.memory_space<vmem>> -> memref<1x1x256x96xf32, #tpu.memory_space<vmem>>
        %get3A_475 = tpu.memref_squeeze %get3A_474 : memref<1x1x256x96xf32, #tpu.memory_space<vmem>> -> memref<1x256x96xf32, #tpu.memory_space<vmem>>
        %get3A_476 = arith.index_cast %get3A_470 : i32 to index
        %get3A_477 = arith.index_cast %add3A_368 : i32 to index
        %get3A_478 = arith.constant 48 : index
        %get3A_479 = tpu.vector_load %get3A_475[%get3A_476, %get3A_477, %get3A_478] {strides = array<i32>} : memref<1x256x96xf32, #tpu.memory_space<vmem>>, vector<1x1x16xf32>,
        %get3A_480 = vector.shape_cast %get3A_479 : vector<1x1x16xf32> to vector<16xf32>
        %add3A_481 = arith.addf %get3A_469, %get3A_480 : vector<16xf32>
        %swap3A_482 = arith.constant 0 : i32
        %swap3A_483 = arith.constant 0 : i32
        %swap3A_484 = arith.constant 0 : i32
        %swap3A_485 = tpu.memref_slice %run_scoped3A_8[%rem3A_153, %swap3A_483, %swap3A_484] : memref<2x1x96xf32, #tpu.memory_space<vmem>> -> memref<1x1x96xf32, #tpu.memory_space<vmem>>
        %swap3A_486 = tpu.memref_squeeze %swap3A_485 : memref<1x1x96xf32, #tpu.memory_space<vmem>> -> memref<1x96xf32, #tpu.memory_space<vmem>>
        %swap3A_487 = arith.index_cast %swap3A_482 : i32 to index
        %swap3A_488 = arith.constant 48 : index
        %swap3A_489 = tpu.vector_load %swap3A_486[%swap3A_487, %swap3A_488] {strides = array<i32>} : memref<1x96xf32, #tpu.memory_space<vmem>>, vector<1x16xf32>,
        %swap3A_490 = vector.shape_cast %swap3A_489 : vector<1x16xf32> to vector<16xf32>
        %swap3A_491 = vector.shape_cast %add3A_481 : vector<16xf32> to vector<1x16xf32>
        tpu.vector_store %swap3A_486[%swap3A_487, %swap3A_488], %swap3A_491 {strides = array<i32>} : memref<1x96xf32, #tpu.memory_space<vmem>>, vector<1x16xf32>,
        %get3A_492 = arith.constant 0 : i32
        %get3A_493 = arith.constant 0 : i32
        %get3A_494 = arith.constant 0 : i32
        %get3A_495 = tpu.memref_slice %run_scoped3A_8[%rem3A_153, %get3A_493, %get3A_494] : memref<2x1x96xf32, #tpu.memory_space<vmem>> -> memref<1x1x96xf32, #tpu.memory_space<vmem>>
        %get3A_496 = tpu.memref_squeeze %get3A_495 : memref<1x1x96xf32, #tpu.memory_space<vmem>> -> memref<1x96xf32, #tpu.memory_space<vmem>>
        %get3A_497 = arith.index_cast %get3A_492 : i32 to index
        %get3A_498 = arith.constant 64 : index
        %get3A_499 = tpu.vector_load %get3A_496[%get3A_497, %get3A_498] {strides = array<i32>} : memref<1x96xf32, #tpu.memory_space<vmem>>, vector<1x16xf32>,
        %get3A_500 = vector.shape_cast %get3A_499 : vector<1x16xf32> to vector<16xf32>
        %get3A_501 = arith.constant 0 : i32
        %get3A_502 = arith.constant 0 : i32
        %get3A_503 = arith.constant 0 : i32
        %get3A_504 = arith.constant 0 : i32
        %get3A_505 = tpu.memref_slice %run_scoped3A[%rem3A_151, %get3A_502, %get3A_503, %get3A_504] : memref<2x1x256x96xf32, #tpu.memory_space<vmem>> -> memref<1x1x256x96xf32, #tpu.memory_space<vmem>>
        %get3A_506 = tpu.memref_squeeze %get3A_505 : memref<1x1x256x96xf32, #tpu.memory_space<vmem>> -> memref<1x256x96xf32, #tpu.memory_space<vmem>>
        %get3A_507 = arith.index_cast %get3A_501 : i32 to index
        %get3A_508 = arith.index_cast %add3A_368 : i32 to index
        %get3A_509 = arith.constant 64 : index
        %get3A_510 = tpu.vector_load %get3A_506[%get3A_507, %get3A_508, %get3A_509] {strides = array<i32>} : memref<1x256x96xf32, #tpu.memory_space<vmem>>, vector<1x1x16xf32>,
        %get3A_511 = vector.shape_cast %get3A_510 : vector<1x1x16xf32> to vector<16xf32>
        %add3A_512 = arith.addf %get3A_500, %get3A_511 : vector<16xf32>
        %swap3A_513 = arith.constant 0 : i32
        %swap3A_514 = arith.constant 0 : i32
        %swap3A_515 = arith.constant 0 : i32
        %swap3A_516 = tpu.memref_slice %run_scoped3A_8[%rem3A_153, %swap3A_514, %swap3A_515] : memref<2x1x96xf32, #tpu.memory_space<vmem>> -> memref<1x1x96xf32, #tpu.memory_space<vmem>>
        %swap3A_517 = tpu.memref_squeeze %swap3A_516 : memref<1x1x96xf32, #tpu.memory_space<vmem>> -> memref<1x96xf32, #tpu.memory_space<vmem>>
        %swap3A_518 = arith.index_cast %swap3A_513 : i32 to index
        %swap3A_519 = arith.constant 64 : index
        %swap3A_520 = tpu.vector_load %swap3A_517[%swap3A_518, %swap3A_519] {strides = array<i32>} : memref<1x96xf32, #tpu.memory_space<vmem>>, vector<1x16xf32>,
        %swap3A_521 = vector.shape_cast %swap3A_520 : vector<1x16xf32> to vector<16xf32>
        %swap3A_522 = vector.shape_cast %add3A_512 : vector<16xf32> to vector<1x16xf32>
        tpu.vector_store %swap3A_517[%swap3A_518, %swap3A_519], %swap3A_522 {strides = array<i32>} : memref<1x96xf32, #tpu.memory_space<vmem>>, vector<1x16xf32>,
        %get3A_523 = arith.constant 0 : i32
        %get3A_524 = arith.constant 0 : i32
        %get3A_525 = arith.constant 0 : i32
        %get3A_526 = tpu.memref_slice %run_scoped3A_8[%rem3A_153, %get3A_524, %get3A_525] : memref<2x1x96xf32, #tpu.memory_space<vmem>> -> memref<1x1x96xf32, #tpu.memory_space<vmem>>
        %get3A_527 = tpu.memref_squeeze %get3A_526 : memref<1x1x96xf32, #tpu.memory_space<vmem>> -> memref<1x96xf32, #tpu.memory_space<vmem>>
        %get3A_528 = arith.index_cast %get3A_523 : i32 to index
        %get3A_529 = arith.constant 80 : index
        %get3A_530 = tpu.vector_load %get3A_527[%get3A_528, %get3A_529] {strides = array<i32>} : memref<1x96xf32, #tpu.memory_space<vmem>>, vector<1x16xf32>,
        %get3A_531 = vector.shape_cast %get3A_530 : vector<1x16xf32> to vector<16xf32>
        %get3A_532 = arith.constant 0 : i32
        %get3A_533 = arith.constant 0 : i32
        %get3A_534 = arith.constant 0 : i32
        %get3A_535 = arith.constant 0 : i32
        %get3A_536 = tpu.memref_slice %run_scoped3A[%rem3A_151, %get3A_533, %get3A_534, %get3A_535] : memref<2x1x256x96xf32, #tpu.memory_space<vmem>> -> memref<1x1x256x96xf32, #tpu.memory_space<vmem>>
        %get3A_537 = tpu.memref_squeeze %get3A_536 : memref<1x1x256x96xf32, #tpu.memory_space<vmem>> -> memref<1x256x96xf32, #tpu.memory_space<vmem>>
        %get3A_538 = arith.index_cast %get3A_532 : i32 to index
        %get3A_539 = arith.index_cast %add3A_368 : i32 to index
        %get3A_540 = arith.constant 80 : index
        %get3A_541 = tpu.vector_load %get3A_537[%get3A_538, %get3A_539, %get3A_540] {strides = array<i32>} : memref<1x256x96xf32, #tpu.memory_space<vmem>>, vector<1x1x16xf32>,
        %get3A_542 = vector.shape_cast %get3A_541 : vector<1x1x16xf32> to vector<16xf32>
        %add3A_543 = arith.addf %get3A_531, %get3A_542 : vector<16xf32>
        %swap3A_544 = arith.constant 0 : i32
        %swap3A_545 = arith.constant 0 : i32
        %swap3A_546 = arith.constant 0 : i32
        %swap3A_547 = tpu.memref_slice %run_scoped3A_8[%rem3A_153, %swap3A_545, %swap3A_546] : memref<2x1x96xf32, #tpu.memory_space<vmem>> -> memref<1x1x96xf32, #tpu.memory_space<vmem>>
        %swap3A_548 = tpu.memref_squeeze %swap3A_547 : memref<1x1x96xf32, #tpu.memory_space<vmem>> -> memref<1x96xf32, #tpu.memory_space<vmem>>
        %swap3A_549 = arith.index_cast %swap3A_544 : i32 to index
        %swap3A_550 = arith.constant 80 : index
        %swap3A_551 = tpu.vector_load %swap3A_548[%swap3A_549, %swap3A_550] {strides = array<i32>} : memref<1x96xf32, #tpu.memory_space<vmem>>, vector<1x16xf32>,
        %swap3A_552 = vector.shape_cast %swap3A_551 : vector<1x16xf32> to vector<16xf32>
        %swap3A_553 = vector.shape_cast %add3A_543 : vector<16xf32> to vector<1x16xf32>
        tpu.vector_store %swap3A_548[%swap3A_549, %swap3A_550], %swap3A_553 {strides = array<i32>} : memref<1x96xf32, #tpu.memory_space<vmem>>, vector<1x16xf32>,
      }
      %scan3A_228 = arith.constant 256 : i32
      "tpu.trace_stop"() : () -> ()
      %ne3A_229 = arith.cmpi ne, %add3A_76, %add3A_96 : i32
      %or3A_230 = arith.constant false
      %or3A_231 = arith.ori %or3A_230, %ne3A_229 : i1
      %or3A_232 = arith.constant false
      %or3A_233 = arith.ori %or3A_231, %or3A_232 : i1
      %or3A_234 = arith.constant false
      %or3A_235 = arith.ori %or3A_233, %or3A_234 : i1
      %or3A_236 = arith.ori %or3A_235, %eq3A_74 : i1
      %convert_element_type3A_237 = arith.extui %or3A_236 : i1 to i32
      %cond3A_238 = arith.constant 0 : i32
      %cond3A_239 = arith.cmpi ne, %convert_element_type3A_237, %cond3A_238 : i32
      scf.if %cond3A_239 {
      } else {
      }
      %and3A_240 = arith.constant false
      %and3A_241 = arith.andi %or3A_236, %and3A_240 : i1
      %ne3A_242 = arith.cmpi ne, %add3A_76, %add3A_96 : i32
      %or3A_243 = arith.constant false
      %or3A_244 = arith.ori %or3A_243, %ne3A_242 : i1
      %or3A_245 = arith.constant false
      %or3A_246 = arith.ori %or3A_244, %or3A_245 : i1
      %or3A_247 = arith.ori %or3A_246, %eq3A_74 : i1
      %convert_element_type3A_248 = arith.extui %or3A_247 : i1 to i32
      %cond3A_249 = arith.constant 0 : i32
      %cond3A_250 = arith.cmpi ne, %convert_element_type3A_248, %cond3A_249 : i32
      scf.if %cond3A_250 {
        "tpu.trace_start"() <{level = 10 : i32, message = "ep_copy_out"}> : () -> ()
        %rem3A_364 = arith.constant 2 : i32
        %rem3A_365 = arith.remui %scan3A_67, %rem3A_364 : i32
        %mul3A_366 = arith.constant 1 : i32
        %mul3A_367 = arith.muli %mul3A_366, %add3A_76 : i32
        %dma_start3A_368 = arith.constant 0 : i32
        %dma_start3A_369 = arith.constant 0 : i32
        %dma_start3A_370 = tpu.memref_slice %run_scoped3A_8[%rem3A_365, %dma_start3A_368, %dma_start3A_369] : memref<2x1x96xf32, #tpu.memory_space<vmem>> -> memref<1x1x96xf32, #tpu.memory_space<vmem>>
        %dma_start3A_371 = tpu.memref_squeeze %dma_start3A_370 : memref<1x1x96xf32, #tpu.memory_space<vmem>> -> memref<1x96xf32, #tpu.memory_space<vmem>>
        %dma_start3A_372 = arith.constant 0 : i32
        %dma_start3A_373 = tpu.memref_slice %arg3[%mul3A_367, %dma_start3A_372] : memref<32x96xf32, #tpu.memory_space<hbm>> -> memref<1x96xf32, #tpu.memory_space<hbm>>
        %dma_start3A_374 = tpu.memref_slice %run_scoped3A_9[%rem3A_365] : memref<2x!tpu.dma_semaphore, #tpu.memory_space<semaphore_mem>> -> memref<1x!tpu.dma_semaphore, #tpu.memory_space<semaphore_mem>>
        %dma_start3A_375 = tpu.memref_squeeze %dma_start3A_374 : memref<1x!tpu.dma_semaphore, #tpu.memory_space<semaphore_mem>> -> memref<!tpu.dma_semaphore, #tpu.memory_space<semaphore_mem>>
        %dma_start3A_376 = arith.constant 0 : i32
        %dma_start3A_377 = tpu.memref_slice %arg3[%mul3A_367, %dma_start3A_376] : memref<32x96xf32, #tpu.memory_space<hbm>> -> memref<1x96xf32, #tpu.memory_space<hbm>>
        %dma_start3A_378 = arith.constant 0 : i32
        %dma_start3A_379 = arith.constant 0 : i32
        %dma_start3A_380 = tpu.memref_slice %run_scoped3A_8[%rem3A_365, %dma_start3A_378, %dma_start3A_379] : memref<2x1x96xf32, #tpu.memory_space<vmem>> -> memref<1x1x96xf32, #tpu.memory_space<vmem>>
        %dma_start3A_381 = tpu.memref_squeeze %dma_start3A_380 : memref<1x1x96xf32, #tpu.memory_space<vmem>> -> memref<1x96xf32, #tpu.memory_space<vmem>>
        tpu.enqueue_dma source(%dma_start3A_381 : memref<1x96xf32, #tpu.memory_space<vmem>>) target(%dma_start3A_377 : memref<1x96xf32, #tpu.memory_space<hbm>>) target_semaphore(%dma_start3A_375 : memref<!tpu.dma_semaphore, #tpu.memory_space<semaphore_mem>>)
        "tpu.trace_stop"() : () -> ()
      } else {
      }
      %and3A_251 = arith.constant true
      %and3A_252 = arith.andi %or3A_247, %and3A_251 : i1
      %add3A_253 = arith.constant 1 : i32
      %add3A_254 = arith.addi %scan3A_67, %add3A_253 : i32
      %select_n3A_255 = arith.select %and3A_252, %add3A_254, %scan3A_67 : i32
      %ne3A_256 = arith.cmpi ne, %add3A_76, %add3A_86 : i32
      %or3A_257 = arith.constant false
      %or3A_258 = arith.ori %or3A_257, %ne3A_256 : i1
      %or3A_259 = arith.constant false
      %or3A_260 = arith.ori %or3A_258, %or3A_259 : i1
      %or3A_261 = arith.constant false
      %or3A_262 = arith.ori %or3A_260, %or3A_261 : i1
      %not3A_263 = arith.constant true
      %not3A_264 = arith.xori %eq3A_72, %not3A_263 : i1
      %and3A_265 = arith.andi %or3A_262, %not3A_264 : i1
      %convert_element_type3A_266 = arith.extui %and3A_265 : i1 to i32
      %cond3A_267 = arith.constant 0 : i32
      %cond3A_268 = arith.cmpi ne, %convert_element_type3A_266, %cond3A_267 : i32
      scf.if %cond3A_268 {
      } else {
      }
      %and3A_269 = arith.constant false
      %and3A_270 = arith.andi %and3A_265, %and3A_269 : i1
      %ne3A_271 = arith.cmpi ne, %add3A_76, %add3A_86 : i32
      %or3A_272 = arith.constant false
      %or3A_273 = arith.ori %or3A_272, %ne3A_271 : i1
      %or3A_274 = arith.constant false
      %or3A_275 = arith.ori %or3A_273, %or3A_274 : i1
      %not3A_276 = arith.constant true
      %not3A_277 = arith.xori %eq3A_72, %not3A_276 : i1
      %and3A_278 = arith.andi %or3A_275, %not3A_277 : i1
      %convert_element_type3A_279 = arith.extui %and3A_278 : i1 to i32
      %cond3A_280 = arith.constant 0 : i32
      %cond3A_281 = arith.cmpi ne, %convert_element_type3A_279, %cond3A_280 : i32
      scf.if %cond3A_281 {
        "tpu.trace_start"() <{level = 10 : i32, message = "ep_wait_out"}> : () -> ()
        %rem3A_364 = arith.constant 2 : i32
        %rem3A_365 = arith.remui %scan3A_68, %rem3A_364 : i32
        %mul3A_366 = arith.constant 1 : i32
        %mul3A_367 = arith.muli %mul3A_366, %add3A_86 : i32
        %dma_wait3A_368 = arith.constant 0 : i32
        %dma_wait3A_369 = arith.constant 0 : i32
        %dma_wait3A_370 = tpu.memref_slice %run_scoped3A_8[%rem3A_365, %dma_wait3A_368, %dma_wait3A_369] : memref<2x1x96xf32, #tpu.memory_space<vmem>> -> memref<1x1x96xf32, #tpu.memory_space<vmem>>
        %dma_wait3A_371 = tpu.memref_squeeze %dma_wait3A_370 : memref<1x1x96xf32, #tpu.memory_space<vmem>> -> memref<1x96xf32, #tpu.memory_space<vmem>>
        %dma_wait3A_372 = arith.constant 0 : i32
        %dma_wait3A_373 = tpu.memref_slice %arg3[%mul3A_367, %dma_wait3A_372] : memref<32x96xf32, #tpu.memory_space<hbm>> -> memref<1x96xf32, #tpu.memory_space<hbm>>
        %dma_wait3A_374 = tpu.memref_slice %run_scoped3A_9[%rem3A_365] : memref<2x!tpu.dma_semaphore, #tpu.memory_space<semaphore_mem>> -> memref<1x!tpu.dma_semaphore, #tpu.memory_space<semaphore_mem>>
        %dma_wait3A_375 = tpu.memref_squeeze %dma_wait3A_374 : memref<1x!tpu.dma_semaphore, #tpu.memory_space<semaphore_mem>> -> memref<!tpu.dma_semaphore, #tpu.memory_space<semaphore_mem>>
        %dma_wait3A_376 = arith.constant 0 : i32
        %dma_wait3A_377 = tpu.memref_slice %arg3[%mul3A_367, %dma_wait3A_376] : memref<32x96xf32, #tpu.memory_space<hbm>> -> memref<1x96xf32, #tpu.memory_space<hbm>>
        %dma_wait3A_378 = arith.constant 0 : i32
        %dma_wait3A_379 = arith.constant 0 : i32
        %dma_wait3A_380 = tpu.memref_slice %run_scoped3A_8[%rem3A_365, %dma_wait3A_378, %dma_wait3A_379] : memref<2x1x96xf32, #tpu.memory_space<vmem>> -> memref<1x1x96xf32, #tpu.memory_space<vmem>>
        %dma_wait3A_381 = tpu.memref_squeeze %dma_wait3A_380 : memref<1x1x96xf32, #tpu.memory_space<vmem>> -> memref<1x96xf32, #tpu.memory_space<vmem>>
        tpu.wait_dma2 semaphore(%dma_wait3A_375 : memref<!tpu.dma_semaphore, #tpu.memory_space<semaphore_mem>>) src(%dma_wait3A_381 : memref<1x96xf32, #tpu.memory_space<vmem>>) dst(%dma_wait3A_377 : memref<1x96xf32, #tpu.memory_space<hbm>>)
        "tpu.trace_stop"() : () -> ()
      } else {
      }
      %and3A_282 = arith.constant true
      %and3A_283 = arith.andi %and3A_278, %and3A_282 : i1
      %add3A_284 = arith.constant 1 : i32
      %add3A_285 = arith.addi %scan3A_68, %add3A_284 : i32
      %select_n3A_286 = arith.select %and3A_283, %add3A_285, %scan3A_68 : i32
      %ne3A_287 = arith.cmpi ne, %add3A_76, %add3A_96 : i32
      %or3A_288 = arith.constant false
      %or3A_289 = arith.ori %or3A_288, %ne3A_287 : i1
      %or3A_290 = arith.constant false
      %or3A_291 = arith.ori %or3A_289, %or3A_290 : i1
      %or3A_292 = arith.constant false
      %or3A_293 = arith.ori %or3A_291, %or3A_292 : i1
      %or3A_294 = arith.ori %or3A_293, %eq3A_74 : i1
      %add3A_295 = arith.constant 1 : i32
      %add3A_296 = arith.addi %scan3A, %add3A_295 : i32
      %select_n3A_297 = arith.select %or3A_294, %add3A_296, %scan3A : i32
      %select_n3A_298 = arith.constant true
      %select_n3A_299 = arith.constant 0 : i32
      %select_n3A_300 = arith.constant 1 : i32
      %select_n3A_301 = arith.select %select_n3A_298, %select_n3A_300, %select_n3A_299 : i32
      %eq3A_302 = arith.constant 1 : i32
      %eq3A_303 = arith.cmpi eq, %select_n3A_301, %eq3A_302 : i32
      %select_n3A_304 = arith.constant 0 : i32
      %select_n3A_305 = arith.select %eq3A_303, %select_n3A_304, %select_n3A_301 : i32
      %scan3A_306 = arith.constant 0 : i32
      %scan3A_307 = arith.constant 1 : i32
      %sub3A = arith.constant 1 : i32
      %sub3A_308 = arith.subi %scan3A_306, %sub3A : i32
      %select_n3A_309 = arith.constant true
      %select_n3A_310 = arith.select %select_n3A_309, %sub3A_308, %scan3A_306 : i32
      %eq3A_311 = arith.constant -1 : i32
      %eq3A_312 = arith.cmpi eq, %select_n3A_310, %eq3A_311 : i32
      %select_n3A_313 = arith.constant 0 : i32
      %select_n3A_314 = arith.select %eq3A_312, %select_n3A_313, %select_n3A_310 : i32
      %add3A_315 = arith.constant 0 : i32
      %add3A_316 = arith.addi %add3A_315, %mul3A_6 : i32
      %select_n3A_317 = arith.constant true
      %select_n3A_318 = arith.constant 0 : i32
      %select_n3A_319 = arith.constant -1 : i32
      %select_n3A_320 = arith.select %select_n3A_317, %select_n3A_319, %select_n3A_318 : i32
      %eq3A_321 = arith.constant -1 : i32
      %eq3A_322 = arith.cmpi eq, %select_n3A_320, %eq3A_321 : i32
      %select_n3A_323 = arith.constant 0 : i32
      %select_n3A_324 = arith.select %eq3A_322, %select_n3A_323, %select_n3A_320 : i32
      %add3A_325 = arith.constant 0 : i32
      %add3A_326 = arith.addi %add3A_325, %mul3A_6 : i32
      %select_n3A_327 = arith.constant true
      %select_n3A_328 = arith.constant 0 : i32
      %select_n3A_329 = arith.constant 1 : i32
      %select_n3A_330 = arith.select %select_n3A_327, %select_n3A_329, %select_n3A_328 : i32
      %eq3A_331 = arith.constant 1 : i32
      %eq3A_332 = arith.cmpi eq, %select_n3A_330, %eq3A_331 : i32
      %select_n3A_333 = arith.constant 0 : i32
      %select_n3A_334 = arith.select %eq3A_332, %select_n3A_333, %select_n3A_330 : i32
      %add3A_335 = arith.constant 0 : i32
      %add3A_336 = arith.addi %add3A_335, %mul3A_6 : i32
      %select_n3A_337 = arith.constant true
      %select_n3A_338 = arith.constant 0 : i32
      %select_n3A_339 = arith.constant 1 : i32
      %select_n3A_340 = arith.select %select_n3A_337, %select_n3A_339, %select_n3A_338 : i32
      %eq3A_341 = arith.constant 1 : i32
      %eq3A_342 = arith.cmpi eq, %select_n3A_340, %eq3A_341 : i32
      %select_n3A_343 = arith.constant 0 : i32
      %select_n3A_344 = arith.select %eq3A_342, %select_n3A_343, %select_n3A_340 : i32
      %add3A_345 = arith.constant 0 : i32
      %add3A_346 = arith.addi %add3A_345, %mul3A_6 : i32
      "tpu.trace_start"() <{level = 10 : i32, message = "ep_finalize"}> : () -> ()
      %rem3A_347 = arith.constant 2 : i32
      %rem3A_348 = arith.remui %select_n3A_286, %rem3A_347 : i32
      %mul3A_349 = arith.constant 1 : i32
      %mul3A_350 = arith.muli %mul3A_349, %add3A_316 : i32
      %dma_wait3A = arith.constant 0 : i32
      %dma_wait3A_351 = arith.constant 0 : i32
      %dma_wait3A_352 = tpu.memref_slice %run_scoped3A_8[%rem3A_348, %dma_wait3A, %dma_wait3A_351] : memref<2x1x96xf32, #tpu.memory_space<vmem>> -> memref<1x1x96xf32, #tpu.memory_space<vmem>>
      %dma_wait3A_353 = tpu.memref_squeeze %dma_wait3A_352 : memref<1x1x96xf32, #tpu.memory_space<vmem>> -> memref<1x96xf32, #tpu.memory_space<vmem>>
      %dma_wait3A_354 = arith.constant 0 : i32
      %dma_wait3A_355 = tpu.memref_slice %arg3[%mul3A_350, %dma_wait3A_354] : memref<32x96xf32, #tpu.memory_space<hbm>> -> memref<1x96xf32, #tpu.memory_space<hbm>>
      %dma_wait3A_356 = tpu.memref_slice %run_scoped3A_9[%rem3A_348] : memref<2x!tpu.dma_semaphore, #tpu.memory_space<semaphore_mem>> -> memref<1x!tpu.dma_semaphore, #tpu.memory_space<semaphore_mem>>
      %dma_wait3A_357 = tpu.memref_squeeze %dma_wait3A_356 : memref<1x!tpu.dma_semaphore, #tpu.memory_space<semaphore_mem>> -> memref<!tpu.dma_semaphore, #tpu.memory_space<semaphore_mem>>
      %dma_wait3A_358 = arith.constant 0 : i32
      %dma_wait3A_359 = tpu.memref_slice %arg3[%mul3A_350, %dma_wait3A_358] : memref<32x96xf32, #tpu.memory_space<hbm>> -> memref<1x96xf32, #tpu.memory_space<hbm>>
      %dma_wait3A_360 = arith.constant 0 : i32
      %dma_wait3A_361 = arith.constant 0 : i32
      %dma_wait3A_362 = tpu.memref_slice %run_scoped3A_8[%rem3A_348, %dma_wait3A_360, %dma_wait3A_361] : memref<2x1x96xf32, #tpu.memory_space<vmem>> -> memref<1x1x96xf32, #tpu.memory_space<vmem>>
      %dma_wait3A_363 = tpu.memref_squeeze %dma_wait3A_362 : memref<1x1x96xf32, #tpu.memory_space<vmem>> -> memref<1x96xf32, #tpu.memory_space<vmem>>
      tpu.wait_dma2 semaphore(%dma_wait3A_357 : memref<!tpu.dma_semaphore, #tpu.memory_space<semaphore_mem>>) src(%dma_wait3A_363 : memref<1x96xf32, #tpu.memory_space<vmem>>) dst(%dma_wait3A_359 : memref<1x96xf32, #tpu.memory_space<hbm>>)
      "tpu.trace_stop"() : () -> ()
      tpu.yield
    }) : () -> ()
    return
  }
}

module attributes {stable_mosaic.version = 14 : i64} {
  func.func @_dgfu_tc_kernel(%arg0: i32, %arg1: memref<1x96x4096xf32, #tpu.memory_space<vmem>>, %arg2: memref<1x16x96xf32, #tpu.memory_space<vmem>>, %arg3: memref<96x96xf32, #tpu.memory_space<vmem>>, %arg4: memref<9x96x96xf32, #tpu.memory_space<vmem>>, %arg5: memref<16x4096xf32, #tpu.memory_space<vmem>>, %arg6: memref<1x96x4096xf32, #tpu.memory_space<vmem>>) attributes {dimension_semantics = [#tpu.dimension_semantics<parallel>], iteration_bounds = array<i64: 2>, scalar_prefetch = 0 : i64, scratch_operands = 0 : i64, tpu.core_type = #tpu.core_type<tc>, window_params = [{transform_indices = @transform_0, window_bounds = array<i64: 1, 96, 4096>}, {transform_indices = @transform_1, window_bounds = array<i64: 1, 16, 96>}, {pipeline_mode = #tpu.pipeline_mode<synchronous>, transform_indices = @transform_2, window_bounds = array<i64: 96, 96>}, {pipeline_mode = #tpu.pipeline_mode<synchronous>, transform_indices = @transform_3, window_bounds = array<i64: 9, 96, 96>}, {pipeline_mode = #tpu.pipeline_mode<synchronous>, transform_indices = @transform_4, window_bounds = array<i64: 16, 4096>}, {transform_indices = @transform_5, window_bounds = array<i64: 1, 96, 4096>}]} {
    %get3A = arith.constant 0 : index
    %get3A_0 = arith.constant 0 : index
    %get3A_1 = arith.constant 0 : index
    %get3A_2 = vector.load %arg1[%get3A, %get3A_0, %get3A_1] : memref<1x96x4096xf32, #tpu.memory_space<vmem>>, vector<1x96x4096xf32>
    %get3A_3 = vector.shape_cast %get3A_2 : vector<1x96x4096xf32> to vector<96x4096xf32>
    %get3A_4 = arith.constant 0 : index
    %get3A_5 = arith.constant 0 : index
    %get3A_6 = arith.constant 0 : index
    %get3A_7 = vector.load %arg2[%get3A_4, %get3A_5, %get3A_6] : memref<1x16x96xf32, #tpu.memory_space<vmem>>, vector<1x16x96xf32>
    %get3A_8 = vector.shape_cast %get3A_7 : vector<1x16x96xf32> to vector<16x96xf32>
    %mul3A = arith.constant 3.906250e-03 : f32
    %mul3A_9 = vector.broadcast %mul3A : f32 to vector<16x96xf32>
    %mul3A_10 = arith.mulf %get3A_8, %mul3A_9 : vector<16x96xf32>
    %get3A_11 = arith.constant 0 : index
    %get3A_12 = arith.constant 0 : index
    %get3A_13 = vector.load %arg3[%get3A_11, %get3A_12] : memref<96x96xf32, #tpu.memory_space<vmem>>, vector<96x96xf32>
    %dot_general3A = arith.constant dense<0.000000e+00> : vector<16x96xf32>
    %dot_general3A_14 = tpu.matmul %mul3A_10, %get3A_13, %dot_general3A {dimension_numbers = #tpu.dot_dimension_numbers<[1], [0], [0], [1], [0, 0, 1, 1], [], []>, transpose_lhs_hint = false} : vector<16x96xf32>, vector<96x96xf32>, vector<16x96xf32> -> vector<16x96xf32>
    %mul3A_15 = arith.mulf %dot_general3A_14, %dot_general3A_14 : vector<16x96xf32>
    %reduce_sum3A = arith.constant dense<0.000000e+00> : vector<16xf32>
    %reduce_sum3A_16 = vector.multi_reduction <add>, %mul3A_15, %reduce_sum3A [1] : vector<16x96xf32> to vector<16xf32>
    %broadcast_in_dim3A = vector.shape_cast %reduce_sum3A_16 : vector<16xf32> to vector<16x1xf32>
    %transpose3A = tpu.transpose %dot_general3A_14, [1, 0] : vector<16x96xf32> -> vector<96x16xf32>
    %dot_general3A_17 = arith.constant dense<0.000000e+00> : vector<16x16xf32>
    %dot_general3A_18 = tpu.matmul %dot_general3A_14, %transpose3A, %dot_general3A_17 {dimension_numbers = #tpu.dot_dimension_numbers<[1], [0], [0], [1], [0, 0, 1, 1], [], []>, transpose_lhs_hint = false} : vector<16x96xf32>, vector<96x16xf32>, vector<16x16xf32> -> vector<16x16xf32>
    %transpose3A_19 = tpu.transpose %broadcast_in_dim3A, [1, 0] : vector<16x1xf32> -> vector<1x16xf32>
    %add3A = vector.broadcast %broadcast_in_dim3A : vector<16x1xf32> to vector<16x16xf32>
    %add3A_20 = vector.broadcast %transpose3A_19 : vector<1x16xf32> to vector<16x16xf32>
    %add3A_21 = arith.addf %add3A, %add3A_20 : vector<16x16xf32>
    %mul3A_22 = arith.constant 2.000000e+00 : f32
    %mul3A_23 = vector.broadcast %mul3A_22 : f32 to vector<16x16xf32>
    %mul3A_24 = arith.mulf %mul3A_23, %dot_general3A_18 : vector<16x16xf32>
    %sub3A = arith.subf %add3A_21, %mul3A_24 : vector<16x16xf32>
    %iota3A = tpu.iota {dimensions = array<i32: 0>} : vector<16x16xi32>
    %iota3A_25 = tpu.iota {dimensions = array<i32: 1>} : vector<16x16xi32>
    %neg3A = arith.constant 0.000000e+00 : f32
    %neg3A_26 = vector.broadcast %neg3A : f32 to vector<16x16xf32>
    %neg3A_27 = arith.subf %neg3A_26, %sub3A : vector<16x16xf32>
    %exp3A = math.exp %neg3A_27 : vector<16x16xf32>
    %ne3A = arith.cmpi ne, %iota3A, %iota3A_25 : vector<16x16xi32>
    %convert_element_type3A = arith.extui %ne3A : vector<16x16xi1> to vector<16x16xi32>
    %convert_element_type3A_28 = arith.sitofp %convert_element_type3A : vector<16x16xi32> to vector<16x16xf32>
    %mul3A_29 = arith.mulf %exp3A, %convert_element_type3A_28 : vector<16x16xf32>
    %dot_general3A_30 = arith.constant dense<0.000000e+00> : vector<16x96xf32>
    %dot_general3A_31 = tpu.matmul %mul3A_29, %mul3A_10, %dot_general3A_30 {dimension_numbers = #tpu.dot_dimension_numbers<[1], [0], [0], [1], [0, 0, 1, 1], [], []>, transpose_lhs_hint = false} : vector<16x16xf32>, vector<16x96xf32>, vector<16x96xf32> -> vector<16x96xf32>
    %transpose3A_32 = tpu.transpose %dot_general3A_31, [1, 0] : vector<16x96xf32> -> vector<96x16xf32>
    %get3A_33 = arith.constant 0 : index
    %get3A_34 = arith.constant 0 : index
    %get3A_35 = vector.load %arg5[%get3A_33, %get3A_34] : memref<16x4096xf32, #tpu.memory_space<vmem>>, vector<16x4096xf32>
    %dot_general3A_36 = arith.constant dense<0.000000e+00> : vector<96x4096xf32>
    %dot_general3A_37 = tpu.matmul %transpose3A_32, %get3A_35, %dot_general3A_36 {dimension_numbers = #tpu.dot_dimension_numbers<[1], [0], [0], [1], [0, 0, 1, 1], [], []>, transpose_lhs_hint = false} : vector<96x16xf32>, vector<16x4096xf32>, vector<96x4096xf32> -> vector<96x4096xf32>
    %add3A_38 = arith.addf %get3A_3, %dot_general3A_37 : vector<96x4096xf32>
    %convert_element_type3A_39 = arith.truncf %add3A_38 : vector<96x4096xf32> to vector<96x4096xbf16>
    %iota3A_40 = tpu.iota {dimensions = array<i32: 1>} : vector<1x4096xi32>
    %and3A = arith.constant 63 : i32
    %and3A_41 = vector.broadcast %and3A : i32 to vector<1x4096xi32>
    %and3A_42 = arith.andi %iota3A_40, %and3A_41 : vector<1x4096xi32>
    %shift_right_arithmetic3A = arith.constant 6 : i32
    %shift_right_arithmetic3A_43 = vector.broadcast %shift_right_arithmetic3A : i32 to vector<1x4096xi32>
    %shift_right_arithmetic3A_44 = arith.shrsi %iota3A_40, %shift_right_arithmetic3A_43 : vector<1x4096xi32>
    %ne3A_45 = arith.constant 0 : i32
    %ne3A_46 = vector.broadcast %ne3A_45 : i32 to vector<1x4096xi32>
    %ne3A_47 = arith.cmpi ne, %shift_right_arithmetic3A_44, %ne3A_46 : vector<1x4096xi32>
    %convert_element_type3A_48 = arith.extui %ne3A_47 : vector<1x4096xi1> to vector<1x4096xi32>
    %convert_element_type3A_49 = arith.sitofp %convert_element_type3A_48 : vector<1x4096xi32> to vector<1x4096xf32>
    %convert_element_type3A_50 = arith.truncf %convert_element_type3A_49 : vector<1x4096xf32> to vector<1x4096xbf16>
    %ne3A_51 = arith.constant 63 : i32
    %ne3A_52 = vector.broadcast %ne3A_51 : i32 to vector<1x4096xi32>
    %ne3A_53 = arith.cmpi ne, %shift_right_arithmetic3A_44, %ne3A_52 : vector<1x4096xi32>
    %convert_element_type3A_54 = arith.extui %ne3A_53 : vector<1x4096xi1> to vector<1x4096xi32>
    %convert_element_type3A_55 = arith.sitofp %convert_element_type3A_54 : vector<1x4096xi32> to vector<1x4096xf32>
    %convert_element_type3A_56 = arith.truncf %convert_element_type3A_55 : vector<1x4096xf32> to vector<1x4096xbf16>
    %ne3A_57 = arith.constant 0 : i32
    %ne3A_58 = vector.broadcast %ne3A_57 : i32 to vector<1x4096xi32>
    %ne3A_59 = arith.cmpi ne, %and3A_42, %ne3A_58 : vector<1x4096xi32>
    %convert_element_type3A_60 = arith.extui %ne3A_59 : vector<1x4096xi1> to vector<1x4096xi32>
    %convert_element_type3A_61 = arith.sitofp %convert_element_type3A_60 : vector<1x4096xi32> to vector<1x4096xf32>
    %ne3A_62 = arith.constant 63 : i32
    %ne3A_63 = vector.broadcast %ne3A_62 : i32 to vector<1x4096xi32>
    %ne3A_64 = arith.cmpi ne, %and3A_42, %ne3A_63 : vector<1x4096xi32>
    %convert_element_type3A_65 = arith.extui %ne3A_64 : vector<1x4096xi1> to vector<1x4096xi32>
    %convert_element_type3A_66 = arith.sitofp %convert_element_type3A_65 : vector<1x4096xi32> to vector<1x4096xf32>
    %get3A_67 = arith.constant 0 : index
    %get3A_68 = arith.constant 0 : index
    %get3A_69 = arith.constant 0 : index
    %get3A_70 = vector.load %arg4[%get3A_67, %get3A_68, %get3A_69] : memref<9x96x96xf32, #tpu.memory_space<vmem>>, vector<9x96x96xf32>
    %convert_element_type3A_71 = arith.truncf %get3A_70 : vector<9x96x96xf32> to vector<9x96x96xbf16>
    %roll3A = arith.constant 64 : i32
    %roll3A_72 = tpu.dynamic_rotate %convert_element_type3A_39 by %roll3A dim 1 : vector<96x4096xbf16>, i32 -> vector<96x4096xbf16>
    %mul3A_73 = vector.broadcast %convert_element_type3A_50 : vector<1x4096xbf16> to vector<96x4096xbf16>
    %mul3A_74 = arith.mulf %roll3A_72, %mul3A_73 : vector<96x4096xbf16>
    %roll3A_75 = arith.constant 4032 : i32
    %roll3A_76 = tpu.dynamic_rotate %convert_element_type3A_39 by %roll3A_75 dim 1 : vector<96x4096xbf16>, i32 -> vector<96x4096xbf16>
    %mul3A_77 = vector.broadcast %convert_element_type3A_56 : vector<1x4096xbf16> to vector<96x4096xbf16>
    %mul3A_78 = arith.mulf %roll3A_76, %mul3A_77 : vector<96x4096xbf16>
    %broadcast_in_dim3A_79 = arith.constant 0.000000e+00 : f32
    %broadcast_in_dim3A_80 = vector.broadcast %broadcast_in_dim3A_79 : f32 to vector<96x4096xf32>
    %broadcast_in_dim3A_81 = arith.constant 0.000000e+00 : f32
    %broadcast_in_dim3A_82 = vector.broadcast %broadcast_in_dim3A_81 : f32 to vector<96x4096xf32>
    %slice3A = vector.extract_strided_slice %convert_element_type3A_71 {offsets = [0, 0, 0], sizes = [1, 96, 96], strides = [1, 1, 1]} : vector<9x96x96xbf16> to vector<1x96x96xbf16>
    %squeeze3A = vector.shape_cast %slice3A : vector<1x96x96xbf16> to vector<96x96xbf16>
    %dot_general3A_83 = arith.constant dense<0.000000e+00> : vector<96x4096xf32>
    %dot_general3A_84 = tpu.matmul %squeeze3A, %mul3A_74, %dot_general3A_83 {dimension_numbers = #tpu.dot_dimension_numbers<[1], [0], [0], [1], [0, 0, 1, 1], [], []>, transpose_lhs_hint = false} : vector<96x96xbf16>, vector<96x4096xbf16>, vector<96x4096xf32> -> vector<96x4096xf32>
    %add3A_85 = arith.addf %broadcast_in_dim3A_82, %dot_general3A_84 : vector<96x4096xf32>
    %slice3A_86 = vector.extract_strided_slice %convert_element_type3A_71 {offsets = [3, 0, 0], sizes = [1, 96, 96], strides = [1, 1, 1]} : vector<9x96x96xbf16> to vector<1x96x96xbf16>
    %squeeze3A_87 = vector.shape_cast %slice3A_86 : vector<1x96x96xbf16> to vector<96x96xbf16>
    %dot_general3A_88 = arith.constant dense<0.000000e+00> : vector<96x4096xf32>
    %dot_general3A_89 = tpu.matmul %squeeze3A_87, %convert_element_type3A_39, %dot_general3A_88 {dimension_numbers = #tpu.dot_dimension_numbers<[1], [0], [0], [1], [0, 0, 1, 1], [], []>, transpose_lhs_hint = false} : vector<96x96xbf16>, vector<96x4096xbf16>, vector<96x4096xf32> -> vector<96x4096xf32>
    %add3A_90 = arith.addf %add3A_85, %dot_general3A_89 : vector<96x4096xf32>
    %slice3A_91 = vector.extract_strided_slice %convert_element_type3A_71 {offsets = [6, 0, 0], sizes = [1, 96, 96], strides = [1, 1, 1]} : vector<9x96x96xbf16> to vector<1x96x96xbf16>
    %squeeze3A_92 = vector.shape_cast %slice3A_91 : vector<1x96x96xbf16> to vector<96x96xbf16>
    %dot_general3A_93 = arith.constant dense<0.000000e+00> : vector<96x4096xf32>
    %dot_general3A_94 = tpu.matmul %squeeze3A_92, %mul3A_78, %dot_general3A_93 {dimension_numbers = #tpu.dot_dimension_numbers<[1], [0], [0], [1], [0, 0, 1, 1], [], []>, transpose_lhs_hint = false} : vector<96x96xbf16>, vector<96x4096xbf16>, vector<96x4096xf32> -> vector<96x4096xf32>
    %add3A_95 = arith.addf %add3A_90, %dot_general3A_94 : vector<96x4096xf32>
    %roll3A_96 = arith.constant 1 : i32
    %roll3A_97 = tpu.dynamic_rotate %add3A_95 by %roll3A_96 dim 1 : vector<96x4096xf32>, i32 -> vector<96x4096xf32>
    %mul3A_98 = vector.broadcast %convert_element_type3A_61 : vector<1x4096xf32> to vector<96x4096xf32>
    %mul3A_99 = arith.mulf %roll3A_97, %mul3A_98 : vector<96x4096xf32>
    %add3A_100 = arith.addf %broadcast_in_dim3A_80, %mul3A_99 : vector<96x4096xf32>
    %broadcast_in_dim3A_101 = arith.constant 0.000000e+00 : f32
    %broadcast_in_dim3A_102 = vector.broadcast %broadcast_in_dim3A_101 : f32 to vector<96x4096xf32>
    %slice3A_103 = vector.extract_strided_slice %convert_element_type3A_71 {offsets = [1, 0, 0], sizes = [1, 96, 96], strides = [1, 1, 1]} : vector<9x96x96xbf16> to vector<1x96x96xbf16>
    %squeeze3A_104 = vector.shape_cast %slice3A_103 : vector<1x96x96xbf16> to vector<96x96xbf16>
    %dot_general3A_105 = arith.constant dense<0.000000e+00> : vector<96x4096xf32>
    %dot_general3A_106 = tpu.matmul %squeeze3A_104, %mul3A_74, %dot_general3A_105 {dimension_numbers = #tpu.dot_dimension_numbers<[1], [0], [0], [1], [0, 0, 1, 1], [], []>, transpose_lhs_hint = false} : vector<96x96xbf16>, vector<96x4096xbf16>, vector<96x4096xf32> -> vector<96x4096xf32>
    %add3A_107 = arith.addf %broadcast_in_dim3A_102, %dot_general3A_106 : vector<96x4096xf32>
    %slice3A_108 = vector.extract_strided_slice %convert_element_type3A_71 {offsets = [4, 0, 0], sizes = [1, 96, 96], strides = [1, 1, 1]} : vector<9x96x96xbf16> to vector<1x96x96xbf16>
    %squeeze3A_109 = vector.shape_cast %slice3A_108 : vector<1x96x96xbf16> to vector<96x96xbf16>
    %dot_general3A_110 = arith.constant dense<0.000000e+00> : vector<96x4096xf32>
    %dot_general3A_111 = tpu.matmul %squeeze3A_109, %convert_element_type3A_39, %dot_general3A_110 {dimension_numbers = #tpu.dot_dimension_numbers<[1], [0], [0], [1], [0, 0, 1, 1], [], []>, transpose_lhs_hint = false} : vector<96x96xbf16>, vector<96x4096xbf16>, vector<96x4096xf32> -> vector<96x4096xf32>
    %add3A_112 = arith.addf %add3A_107, %dot_general3A_111 : vector<96x4096xf32>
    %slice3A_113 = vector.extract_strided_slice %convert_element_type3A_71 {offsets = [7, 0, 0], sizes = [1, 96, 96], strides = [1, 1, 1]} : vector<9x96x96xbf16> to vector<1x96x96xbf16>
    %squeeze3A_114 = vector.shape_cast %slice3A_113 : vector<1x96x96xbf16> to vector<96x96xbf16>
    %dot_general3A_115 = arith.constant dense<0.000000e+00> : vector<96x4096xf32>
    %dot_general3A_116 = tpu.matmul %squeeze3A_114, %mul3A_78, %dot_general3A_115 {dimension_numbers = #tpu.dot_dimension_numbers<[1], [0], [0], [1], [0, 0, 1, 1], [], []>, transpose_lhs_hint = false} : vector<96x96xbf16>, vector<96x4096xbf16>, vector<96x4096xf32> -> vector<96x4096xf32>
    %add3A_117 = arith.addf %add3A_112, %dot_general3A_116 : vector<96x4096xf32>
    %add3A_118 = arith.addf %add3A_100, %add3A_117 : vector<96x4096xf32>
    %broadcast_in_dim3A_119 = arith.constant 0.000000e+00 : f32
    %broadcast_in_dim3A_120 = vector.broadcast %broadcast_in_dim3A_119 : f32 to vector<96x4096xf32>
    %slice3A_121 = vector.extract_strided_slice %convert_element_type3A_71 {offsets = [2, 0, 0], sizes = [1, 96, 96], strides = [1, 1, 1]} : vector<9x96x96xbf16> to vector<1x96x96xbf16>
    %squeeze3A_122 = vector.shape_cast %slice3A_121 : vector<1x96x96xbf16> to vector<96x96xbf16>
    %dot_general3A_123 = arith.constant dense<0.000000e+00> : vector<96x4096xf32>
    %dot_general3A_124 = tpu.matmul %squeeze3A_122, %mul3A_74, %dot_general3A_123 {dimension_numbers = #tpu.dot_dimension_numbers<[1], [0], [0], [1], [0, 0, 1, 1], [], []>, transpose_lhs_hint = false} : vector<96x96xbf16>, vector<96x4096xbf16>, vector<96x4096xf32> -> vector<96x4096xf32>
    %add3A_125 = arith.addf %broadcast_in_dim3A_120, %dot_general3A_124 : vector<96x4096xf32>
    %slice3A_126 = vector.extract_strided_slice %convert_element_type3A_71 {offsets = [5, 0, 0], sizes = [1, 96, 96], strides = [1, 1, 1]} : vector<9x96x96xbf16> to vector<1x96x96xbf16>
    %squeeze3A_127 = vector.shape_cast %slice3A_126 : vector<1x96x96xbf16> to vector<96x96xbf16>
    %dot_general3A_128 = arith.constant dense<0.000000e+00> : vector<96x4096xf32>
    %dot_general3A_129 = tpu.matmul %squeeze3A_127, %convert_element_type3A_39, %dot_general3A_128 {dimension_numbers = #tpu.dot_dimension_numbers<[1], [0], [0], [1], [0, 0, 1, 1], [], []>, transpose_lhs_hint = false} : vector<96x96xbf16>, vector<96x4096xbf16>, vector<96x4096xf32> -> vector<96x4096xf32>
    %add3A_130 = arith.addf %add3A_125, %dot_general3A_129 : vector<96x4096xf32>
    %slice3A_131 = vector.extract_strided_slice %convert_element_type3A_71 {offsets = [8, 0, 0], sizes = [1, 96, 96], strides = [1, 1, 1]} : vector<9x96x96xbf16> to vector<1x96x96xbf16>
    %squeeze3A_132 = vector.shape_cast %slice3A_131 : vector<1x96x96xbf16> to vector<96x96xbf16>
    %dot_general3A_133 = arith.constant dense<0.000000e+00> : vector<96x4096xf32>
    %dot_general3A_134 = tpu.matmul %squeeze3A_132, %mul3A_78, %dot_general3A_133 {dimension_numbers = #tpu.dot_dimension_numbers<[1], [0], [0], [1], [0, 0, 1, 1], [], []>, transpose_lhs_hint = false} : vector<96x96xbf16>, vector<96x4096xbf16>, vector<96x4096xf32> -> vector<96x4096xf32>
    %add3A_135 = arith.addf %add3A_130, %dot_general3A_134 : vector<96x4096xf32>
    %roll3A_136 = arith.constant 4095 : i32
    %roll3A_137 = tpu.dynamic_rotate %add3A_135 by %roll3A_136 dim 1 : vector<96x4096xf32>, i32 -> vector<96x4096xf32>
    %mul3A_138 = vector.broadcast %convert_element_type3A_66 : vector<1x4096xf32> to vector<96x4096xf32>
    %mul3A_139 = arith.mulf %roll3A_137, %mul3A_138 : vector<96x4096xf32>
    %add3A_140 = arith.addf %add3A_118, %mul3A_139 : vector<96x4096xf32>
    %swap3A = arith.constant 0 : index
    %swap3A_141 = arith.constant 0 : index
    %swap3A_142 = arith.constant 0 : index
    %swap3A_143 = vector.load %arg6[%swap3A, %swap3A_141, %swap3A_142] : memref<1x96x4096xf32, #tpu.memory_space<vmem>>, vector<1x96x4096xf32>
    %swap3A_144 = vector.shape_cast %swap3A_143 : vector<1x96x4096xf32> to vector<96x4096xf32>
    %swap3A_145 = vector.shape_cast %add3A_140 : vector<96x4096xf32> to vector<1x96x4096xf32>
    tpu.vector_store %arg6[%swap3A, %swap3A_141, %swap3A_142], %swap3A_145 {strides = array<i32>} : memref<1x96x4096xf32, #tpu.memory_space<vmem>>, vector<1x96x4096xf32>,
    return
  }
  func.func @transform_0(%arg0: i32) -> (i32, i32, i32) {
    %c0_i32 = arith.constant 0 : i32
    %c0_i32_0 = arith.constant 0 : i32
    %c0_i32_1 = arith.constant 0 : i32
    return %arg0, %c0_i32, %c0_i32_0 : i32, i32, i32
  }
  func.func @transform_1(%arg0: i32) -> (i32, i32, i32) {
    %c0_i32 = arith.constant 0 : i32
    %c0_i32_0 = arith.constant 0 : i32
    %c0_i32_1 = arith.constant 0 : i32
    return %arg0, %c0_i32, %c0_i32_0 : i32, i32, i32
  }
  func.func @transform_2(%arg0: i32) -> (i32, i32) {
    %c0_i32 = arith.constant 0 : i32
    %c0_i32_0 = arith.constant 0 : i32
    %c0_i32_1 = arith.constant 0 : i32
    return %c0_i32, %c0_i32_0 : i32, i32
  }
  func.func @transform_3(%arg0: i32) -> (i32, i32, i32) {
    %c0_i32 = arith.constant 0 : i32
    %c0_i32_0 = arith.constant 0 : i32
    %c0_i32_1 = arith.constant 0 : i32
    %c0_i32_2 = arith.constant 0 : i32
    return %c0_i32, %c0_i32_0, %c0_i32_1 : i32, i32, i32
  }
  func.func @transform_4(%arg0: i32) -> (i32, i32) {
    %c0_i32 = arith.constant 0 : i32
    %c0_i32_0 = arith.constant 0 : i32
    %c0_i32_1 = arith.constant 0 : i32
    return %c0_i32, %c0_i32_0 : i32, i32
  }
  func.func @transform_5(%arg0: i32) -> (i32, i32, i32) {
    %c0_i32 = arith.constant 0 : i32
    %c0_i32_0 = arith.constant 0 : i32
    %c0_i32_1 = arith.constant 0 : i32
    return %arg0, %c0_i32, %c0_i32_0 : i32, i32, i32
  }
}

</mosaic_0001>

<sc_bundles>
// kernel: kernel.4.cloned.1.call-start
scs
__scs_entry_jumppad:
0x0: {  	(pc) =	sbr.rel $0x88, $3  }
0x1: {  	(tag) =	ssettag $0x0;
	lr =	simm.s32 $0x1  }
0x2: {  	[smem:$0x3F9E] =	sst lr;
	_ =	strace $0xD0000000  }
0x3: {  	_ = 	snop  }
0x4: {  	_ = 	snop  }
0x5: {  	_ = 	snop  }
0x6: {  	_ = 	snop  }
0x7: {  	_ = 	snop  }
__scs_overlays_trampoline_lowered:
0x8: {  	[smem:$0x3FAD] =	sst s0  }
0x9: {  	[smem:$0x3FAE] =	sst s1  }
0xa: {  	[smem:$0x3FAF] =	sst s2  }
0xb: {  	[smem:$0x3FB0] =	sst s3  }
0xc: {  	[smem:$0x3FB1] =	sst s4  }
0xd: {  	[smem:$0x3FB2] =	sst s5  }
0xe: {  	[smem:$0x3FB3] =	sst s6  }
0xf: {  	[smem:$0x3FB4] =	sst s7  }
0x10: {  	[smem:$0x3FB5] =	sst s8  }
0x11: {  	[smem:$0x3FB6] =	sst s9;
	s0 =	simm.s32 @!p0 $0x0  }
0x12: {  	s1 =	sld [smem:$0x3F9C];
	s0 =	simm.s32 @p0 $0x1  }
0x13: {  	[smem:$0x3FB7] =	sst s0;
	s0 =	simm.s32 @!p1 $0x0  }
0x14: {  	s2 =	sld [smem:$0x3F9B];
	s0 =	simm.s32 @p1 $0x1  }
0x15: {  	[smem:$0x3FB8] =	sst s0;
	s0 =	simm.s32 @!p2 $0x0  }
0x16: {  	s3 =	sld [smem:$0x3FDB];
	s0 =	simm.s32 @p2 $0x1  }
0x17: {  	s4 =	simm.s32 $0x1BF5;
	[smem:$0x3FBA] =	sst s0  }
0x18: {  	s0 =	sld [smem:$0x3F9D];
	_ =	swait.ge [sflag:s4], $0x0  }
0x19: {  	s7 =	sld [smem:$0x3F9E]  }
0x1a: {  	s8 =	sadd.s32 $0xFFFFE003, lr  }
0x1b: {  	s9 =	sadd.s32 $0xFFFFFEF7, lr;
	s5 =	simm.s32 $0xFFFFFFFF;
	p2 =	slt.u32 s8, $0xFFFFF086  }
0x1c: {  	p1 =	slt.u32 s9, $0xF7A;
	s5 =	simm.s32 @!p2 $0x0  }
0x1d: {  	s5 =	simm.s32 @p1 $0x1;
	p0 =	seq.s32 s7, s2  }
0x1e: {  	s7 =	smul.u32 @!p0 $0xF7A, s2;
	p2 =	seq.s32 @!p0 s5, $0x0  }
0x1f: {  	s9 =	smul.u32 $0xF7A, s1;
	s8 =	simm.s32 @!p0 $0x1BF5;
	p2 =	por !p2, p0  }
0x20: {  	[sflag:s8] =	ssyncset.s32 @!p0 $0xFFFFF086;
	s6 =	sadd.s32 @!p0 s3, s7;
	s7 =	simm.s32 @!p0 $0x108  }
0x21: {  	s3 =	sadd.s32 s3, s9;
	s6 =	sadd.s32 @!p0 $0x88, s6;
	s7 =	simm.s32 @p2 $0x1082  }
0x22: {  	[simem:s7], [sflag:s8] =	dma.local @!p0 [hbm:s6], $0xF7A  }
0x23: {  	s9 =	sor.u32 $0xD0000000, s2;
	s6 =	simm.s32 $0x108;
	_ =	swait.ge @!p0 [sflag:s8], $0x0  }
0x24: {  	s3 =	sadd.s32 $0x88, s3;
	s6 =	simm.s32 @!p1 $0x1082;
	[sflag:s4] =	ssyncset.s32 $0xFFFFF086  }
0x25: {  	[simem:s6], [sflag:s4] =	dma.local [hbm:s3], $0xF7A  }
0x26: {  	[smem:$0x3F9E] =	sst s1;
	(tag) =	ssettag s2;
	_ =	strace s9  }
0x27: {  	s1 =	sld [smem:$0x3FAE]  }
0x28: {  	s2 =	sld [smem:$0x3FAF]  }
0x29: {  	s4 =	sld [smem:$0x3FB1]  }
0x2a: {  	p0 =	seq.s32 s5, $0x0;
	s5 =	sld [smem:$0x3FB2]  }
0x2b: {  	s6 =	sld [smem:$0x3FB3]  }
0x2c: {  	s7 =	sld [smem:$0x3FB4]  }
0x2d: {  	s3 =	simm.s32 $0x108;
	s8 =	sld [smem:$0x3FB5]  }
0x2e: {  	s3 =	simm.s32 @!p0 $0x1082;
	s9 =	sld [smem:$0x3FB6]  }
0x2f: {  	lr =	sadd.s32 s0, s3;
	s0 =	sld [smem:$0x3FAD]  }
0x30: {  	s3 =	sld [smem:$0x3FB0]  }
0x31: {  	[smem:$0x3FB9] =	sst s10  }
0x32: {  	s10 =	sld [smem:$0x3FB7];
	_ =	sdelay $0x3  }
0x33: {  	p0 =	seq.s32 s10, $0x1;
	s10 =	sld [smem:$0x3FB9];
	_ =	sdelay $0x3  }
0x34: {  	[smem:$0x3FB9] =	sst s10  }
0x35: {  	s10 =	sld [smem:$0x3FB8];
	_ =	sdelay $0x3  }
0x36: {  	p1 =	seq.s32 s10, $0x1;
	s10 =	sld [smem:$0x3FB9];
	_ =	sdelay $0x3  }
0x37: {  	[smem:$0x3FB9] =	sst s10  }
0x38: {  	s10 =	sld [smem:$0x3FBA]  }
0x39: {  	_ = 	snop;
	(pc) =	sbr.ind lr, $3  }
0x3a: {  	_ = 	snop  }
0x3b: {  	_ = 	snop  }
0x3c: {  	p2 =	seq.s32 s10, $0x1;
	s10 =	sld [smem:$0x3FB9]  }
0x3d: {  	_ =	shalt  }
0x3e: {  	_ =	shalt  }
0x3f: {  	_ =	shalt  }
0x40: {  	_ =	shalt  }
0x41: {  	_ =	shalt  }
0x42: {  	_ =	shalt  }
0x43: {  	_ =	shalt  }
0x44: {  	_ =	shalt  }
0x45: {  	_ =	shalt  }
0x46: {  	_ =	shalt  }
0x47: {  	_ =	shalt  }
0x48: {  	_ =	shalt  }
0x49: {  	_ =	shalt  }
0x4a: {  	_ =	shalt  }
0x4b: {  	_ =	shalt  }
0x4c: {  	_ =	shalt  }
0x4d: {  	_ =	shalt  }
0x4e: {  	_ =	shalt  }
0x4f: {  	_ =	shalt  }
0x50: {  	_ =	shalt  }
0x51: {  	_ =	shalt  }
0x52: {  	_ =	shalt  }
0x53: {  	_ =	shalt  }
0x54: {  	_ =	shalt  }
0x55: {  	_ =	shalt  }
0x56: {  	_ =	shalt  }
0x57: {  	_ =	shalt  }
0x58: {  	_ =	shalt  }
0x59: {  	_ =	shalt  }
0x5a: {  	_ =	shalt  }
0x5b: {  	_ =	shalt  }
0x5c: {  	_ =	shalt  }
0x5d: {  	_ =	shalt  }
0x5e: {  	_ =	shalt  }
0x5f: {  	_ =	shalt  }
0x60: {  	_ =	shalt  }
0x61: {  	_ =	shalt  }
0x62: {  	_ =	shalt  }
0x63: {  	_ =	shalt  }
0x64: {  	_ =	shalt  }
0x65: {  	_ =	shalt  }
0x66: {  	_ =	shalt  }
0x67: {  	_ =	shalt  }
0x68: {  	_ =	shalt  }
0x69: {  	_ =	shalt  }
0x6a: {  	_ =	shalt  }
0x6b: {  	_ =	shalt  }
0x6c: {  	_ =	shalt  }
0x6d: {  	_ =	shalt  }
0x6e: {  	_ =	shalt  }
0x6f: {  	_ =	shalt  }
0x70: {  	_ =	shalt  }
0x71: {  	_ =	shalt  }
0x72: {  	_ =	shalt  }
0x73: {  	_ =	shalt  }
0x74: {  	_ =	shalt  }
0x75: {  	_ =	shalt  }
0x76: {  	_ =	shalt  }
0x77: {  	_ =	shalt  }
0x78: {  	_ =	shalt  }
0x79: {  	_ =	shalt  }
0x7a: {  	_ =	shalt  }
0x7b: {  	_ =	shalt  }
0x7c: {  	_ =	shalt  }
0x7d: {  	_ =	shalt  }
0x7e: {  	_ =	shalt  }
0x7f: {  	_ =	shalt  }
0x80: {  	_ =	shalt  }
0x81: {  	_ =	shalt  }
0x82: {  	_ =	shalt  }
0x83: {  	_ =	shalt  }
0x84: {  	_ =	shalt  }
0x85: {  	_ =	shalt  }
0x86: {  	_ =	shalt  }
0x87: {  	_ =	shalt  }
.Lfunc_end0:
.L_simem_size_0:
called_computation_lowered:
.L_overlay_start_0:
0x88: {  	s2 =	sld [smem:$0x3FD9]  }
0x89: {  	s3 =	sld [smem:$0x3FFE];
	_ =	sdelay $0x1  }
0x8a: {  	s1 =	srdreg.scid  }
0x8b: {  	s0 =	sand.u32 $0x1, s1  }
0x8c: {  	s17 =	sshll.u32 s0, $0xA;
	s2 =	sadd.s32 s3, s2  }
0x8d: {  	s2 =	sadd.s32 s2, s17  }
0x8e: {  	[smem:$0x3FC5] =	sst s2  }
0x8f: {  	_ = 	snop  }
0x90: {  	s2 =	sld [smem:$0x3FD0];
	(tm) =	ssettm $0x1  }
0x91: {  	s18 =	sld [smem:$0x3FFB];
	_ =	sdelay $0x3  }
0x92: {  	_ =	strace s18  }
0x93: {  	s3 =	sld [smem:$0x3FFC];
	_ =	sdelay $0x3  }
0x94: {  	_ =	strace s3  }
0x95: {  	s3 =	sld [smem:$0x3FFD];
	_ =	sdelay $0x3  }
0x96: {  	_ =	strace s3  }
0x97: {  	_ =	strace $0x8FFFFFFF  }
0x98: {  	s19 =	sld [smem:$0x3FDB];
	_ =	sdelay $0x1  }
0x99: {  	s4 =	simm.s32 $_scs_section_size  }
0x9a: {  	s5 =	simm.s32 $_size__tile_overlayer_lowered;
	s6 =	simm.s32 $_tile_overlayer_lowered  }
0x9b: {  	s22 =	simm.s32 $0x1BFF;
	s21 =	sshll.u32 s6, $0x1;
	s3 =	sadd.s32 s4, s19  }
0x9c: {  	s7 =	simm.s32 $0x0;
	s20 =	sshll.u32 s5, $0x1;
	s5 =	sadd.s32 s21, s3  }
0x9d: {  	[timem:s7], [sflag:s22] =	dma.local [hbm:s5], s20  }
0x9e: {  	_ =	swait.ge [sflag:s22], s20  }
0x9f: {  	s4 =	ssub.s32 $0x0, s20;
	[sflag:s22] =	ssyncset.done $0x0  }
0xa0: {  	[sflag:s22] =	ssyncadd.s32 s4;
	_ =	sdelay $0x1  }
0xa1: {  	s23 =	simm.s32 $0x1B8B  }
0xa2: {  	_ =	swait.ge [sflag:s23], $0x1  }
0xa3: {  	[sflag:s23] =	ssyncset.done $0x0  }
0xa4: {  	s25 =	simm.s32 $0x1B8E;
	s24 =	sld [smem:$0x3FFE];
	[sflag:s23] =	ssyncadd.s32 $0xFFFFFFFF  }
0xa5: {  	s26 =	simm.s32 $execute0_lowered;
	[smem:$0x3FD2] =	sst s25  }
0xa6: {  	s5 =	sshll.u32 s26, $0x1;
	_ =	strace $0x80000046;
	[dreg:$0x1] =	wrdreg $0xFFFFFFFF  }
0xa7: {  	s28 =	simm.s32 $_size_execute0_lowered;
	s3 =	sadd.s32 s3, s5;
	[dreg:$0x0] =	wrdreg $0x0  }
0xa8: {  	s5 =	sshll.u32 s28, $0x1;
	[dreg:$0x2] =	wrdreg s3  }
0xa9: {  	[dreg:$0x3] =	wrdreg s5  }
0xaa: {  	[dreg:$0x4] =	wrdreg $0xC0  }
0xab: {  	_ =	task [dreg:s7], $0x5FFFF  }
0xac: {  	[dreg:$0x1] =	wrdreg $0xFFFFFFFF  }
0xad: {  	[dreg:$0x0] =	wrdreg $0x60  }
0xae: {  	[dreg:$0x2] =	wrdreg s2  }
0xaf: {  	[dreg:$0x3] =	wrdreg s24  }
0xb0: {  	[dreg:$0x4] =	wrdreg $0x9  }
0xb1: {  	_ =	task.clear_ibuf [dreg:s7], $0x5FFFF;
	_ =	strace $0x90000046  }
0xb2: {  	s29 =	simm.s32 $0x9;
	_ =	strace $0x8000004D  }
0xb3: {  	_ =	swait.ge [sflag:s29], $0x1  }
0xb4: {  	[sflag:s29] =	ssyncadd.s32 $0xFFFFFFFF  }
0xb5: {  	_ =	strace $0x9000004D  }
0xb6: {  	_ =	sfence  }
0xb7: {  	s30 =	sld [smem:$0x0];
	_ =	sdelay $0x2  }
0xb8: {  	s31 =	sshll.u32 s1, $0xD;
	s1 =	sshrl.u32 s1, $0x2  }
0xb9: {  	s3 =	sand.u32 $0x4000, s31;
	s1 =	sadd.s32 s1, s30  }
0xba: {  	s0 =	sor.u32 s3, s0;
	s1 =	sshll.u32 s1, $0x11  }
0xbb: {  	s0 =	sor.u32 s1, s0  }
0xbc: {  	s0 =	sadd.s32 $0x8F2B, s0  }
0xbd: {  	[sflag:s0] =	ssyncadd.remote.s32 $0x1  }
0xbe: {  	_ =	sfence.sel $0xFFFF  }
0xbf: {  	[dreg:$0x0] =	wrdreg $0xFFFFFFFF;
	(pc) =	sbr.abs _section_cstart, $3  }
0xc0: {  	[dreg:$0x1] =	wrdreg $0xFFFFFFFF  }
0xc1: {  	_ =	task.clear_ibuf [dreg:s7], $0x2FFFF;
	_ =	strace $0x9FFFFFFF  }
0xc2: {  	(tm) =	ssettm $0x7FFFFFFF  }
0xc3: {  	_ =	shalt  }
tec
execute0_lowered:
.L_overlay_start_1:
0x0: {  	(tag) =	ssettag $0x1  }
0x1: {  	s3 =	rddreg [dreg:$0x0]  }
0x2: {  	s4 =	rddreg [dreg:$0x1]  }
0x3: {  	s0 =	rddreg [dreg:$0x2];
	s5 =	srdreg.scid  }
0x4: {  	s2 =	simm.s32 $0x0;
	s1 =	stileid.u32;
	s9 =	simm.s32 $0x0  }
0x5: {  	s5 =	sand.u32 $0x1, s5;
	[smem:$0x7FF] =	sst s2;
	s6 =	sshll.u32 s1, $0x4  }
0x6: {  	s7 =	sshll.u32 s5, $0x4;
	_ =	strace $0x80000047;
	s6 =	sand.u32 $0x70, s6  }
0x7: {  	s5 =	ssub.s32 $0x2, s5;
	s7 =	sor.u32 s1, s7;
	s4 =	sadd.s32 s6, s4  }
0x8: {  	s8 =	sshrl.u32 s5, $0x1;
	s31 =	sshll.u32 s7, $0x4;
	s7 =	sshll.u32 s7, $0xC  }
0x9: {  	s5 =	ssub.s32 s5, s8;
	s8 =	simm.s32 $0x3;
	s6 =	sand.u32 $0x180, s31  }
0xa: {  	s3 =	sadd.s32 s3, s7;
	s5 =	smax.u32 s5, $0x1;
	s4 =	sadd.s32 s6, s4  }
0xb: {  	s7 =	simm.s32 $0x10000;
	s6 =	simm.s32 $0x1;
	s4 =	sadd.s32 $0xE00, s4  }
.LBB2_1:
0xc: {  	_ =	strace $0x80000048  }
0xd: {  	[tilespmem:s2], [sflag:$0x1] =	stream.linear.gather [hbm4b:s3+s2], $0x8000, $0x200038;
	[tilespmem:$0x10100] =	vst v63  }
0xe: {  	_ =	strace $0x90000048  }
0xf: {  	_ =	strace $0x80000049  }
0x10: {  	_ =	swait.ge [sflag:s6], $0x8000  }
0x11: {  	[sflag:s6] =	ssyncset.done $0x0  }
0x12: {  	[sflag:s6] =	ssyncadd.s32 $0xFFFF8000  }
0x13: {  	v1 =	vimm.f32 $0.0e+00;
	_ =	strace $0x90000049  }
0x14: {  	_ =	strace $0x8000004A;
	[tilespmem:$0x10000] =	vst v1  }
0x15: {  	[tilespmem:$0x10010] =	vst v1  }
0x16: {  	[tilespmem:$0x10020] =	vst v1  }
0x17: {  	[tilespmem:$0x10030] =	vst v1  }
0x18: {  	v5 =	vimm.f32 $0.0e+00;
	v3 =	vimm.f32 $0.0e+00;
	[tilespmem:$0x10040] =	vst v1  }
0x19: {  	s10 =	simm.s32 $0x0;
	s11 =	simm.s32 $0x200;
	v4 =	vimm.f32 $0.0e+00;
	v2 =	vimm.f32 $0.0e+00;
	v0 =	vimm.f32 $0.0e+00;
	[tilespmem:$0x10050] =	vst v1  }
.LBB2_2:
0x1a: {  	p0 =	sne.s32 s11, $0x1FE00;
	v6 =	vld [tilespmem:s10+$0x0];
	_ =	sdelay $0x4  }
0x1b: {  	v1 =	vadd.f32 v6, v1;
	_ =	sdelay $0x1  }
0x1c: {  	[tilespmem:$0x10000] =	vst v1  }
0x1d: {  	v6 =	vld [tilespmem:s10+$0x10];
	_ =	sdelay $0x4  }
0x1e: {  	v5 =	vadd.f32 v6, v5;
	_ =	sdelay $0x1  }
0x1f: {  	[tilespmem:$0x10010] =	vst v5  }
0x20: {  	v6 =	vld [tilespmem:s10+$0x20];
	_ =	sdelay $0x4  }
0x21: {  	v3 =	vadd.f32 v6, v3;
	_ =	sdelay $0x1  }
0x22: {  	[tilespmem:$0x10020] =	vst v3  }
0x23: {  	v6 =	vld [tilespmem:s10+$0x30];
	_ =	sdelay $0x4  }
0x24: {  	v4 =	vadd.f32 v6, v4;
	_ =	sdelay $0x1  }
0x25: {  	[tilespmem:$0x10030] =	vst v4  }
0x26: {  	v6 =	vld [tilespmem:s10+$0x40];
	_ =	sdelay $0x4  }
0x27: {  	v2 =	vadd.f32 v6, v2;
	_ =	sdelay $0x1  }
0x28: {  	[tilespmem:$0x10040] =	vst v2  }
0x29: {  	v6 =	vld [tilespmem:s10+$0x50];
	_ =	sdelay $0x2  }
.Ltmp0:
0x2a: {  	(pc) =	sbr.rel @p0 .LBB2_2-.Ltmp0, $3  }
0x2b: {  	_ = 	snop  }
0x2c: {  	v0 =	vadd.f32 v6, v0;
	_ =	sdelay $0x1  }
0x2d: {  	s10 =	sshra.s32 s11, $0x2;
	s11 =	sadd.s32 $0x200, s11;
	[tilespmem:$0x10050] =	vst v0  }
0x2e: {  	v6 =	vld [tilespmem:s10+$0x0];
	_ =	sdelay $0x4  }
0x2f: {  	v1 =	vadd.f32 v6, v1;
	_ =	sdelay $0x1  }
0x30: {  	[tilespmem:$0x10000] =	vst v1  }
0x31: {  	v1 =	vld [tilespmem:s10+$0x10];
	_ =	sdelay $0x4  }
0x32: {  	v1 =	vadd.f32 v1, v5;
	_ =	sdelay $0x1  }
0x33: {  	[tilespmem:$0x10010] =	vst v1  }
0x34: {  	v1 =	vld [tilespmem:s10+$0x20];
	_ =	sdelay $0x4  }
0x35: {  	v1 =	vadd.f32 v1, v3;
	_ =	sdelay $0x1  }
0x36: {  	[tilespmem:$0x10020] =	vst v1  }
0x37: {  	v1 =	vld [tilespmem:s10+$0x30];
	_ =	sdelay $0x4  }
0x38: {  	v1 =	vadd.f32 v1, v4;
	_ =	sdelay $0x1  }
0x39: {  	[tilespmem:$0x10030] =	vst v1  }
0x3a: {  	v1 =	vld [tilespmem:s10+$0x40];
	_ =	sdelay $0x4  }
0x3b: {  	v1 =	vadd.f32 v1, v2;
	_ =	sdelay $0x1  }
0x3c: {  	[tilespmem:$0x10040] =	vst v1  }
0x3d: {  	v1 =	vld [tilespmem:s10+$0x50];
	_ =	sdelay $0x4  }
0x3e: {  	v0 =	vadd.f32 v1, v0;
	_ =	sdelay $0x1  }
0x3f: {  	[tilespmem:$0x10050] =	vst v0  }
0x40: {  	_ =	strace $0x9000004A  }
0x41: {  	s9 =	sadd.s32 $0x1, s9;
	_ =	strace $0x8000004B  }
0x42: {  	[hbm4b:s4+s2] =	stream.linear.scatter [tilespmem:s7], [sflag:$0x3], $0x80, $0x200038;
	[tilespmem:$0x10100] =	vst v63  }
0x43: {  	p0 =	sne.s32 s9, s5;
	_ =	strace $0x9000004B  }
.Ltmp1:
0x44: {  	_ =	strace $0x8000004C;
	(pc) =	sbr.rel @p0 .LBB2_1-.Ltmp1, $4  }
0x45: {  	_ =	swait.ge [sflag:s8], $0x80  }
0x46: {  	[sflag:s8] =	ssyncset.done $0x0  }
0x47: {  	[sflag:s8] =	ssyncadd.s32 $0xFFFFFF80  }
0x48: {  	_ =	strace $0x9000004C  }
0x49: {  	_ =	sfence.sel $0x180000  }
0x4a: {  	[bflag:$0x0] =	sbarrier.arrive $0xFFFF  }
0x4b: {  	p0 =	sne.s32 s1, $0x0;
	_ =	strace $0x90000047  }
0x4c: {  	s0 =	sadd.s32 @!p0 $0x100000, s0;
	[bflag:$0x2] =	sbarrier.arrive $0xFFFF  }
0x4d: {  	[sflag:s0] =	ssyncadd.tile.s32 @!p0 $0x1;
	_ =	shalt  }
.Lfunc_end2:
_tile_overlayer_lowered:
.L_overlay_start_2:
0x4e: {  	(tag) =	ssettag $0x2  }
0x4f: {  	s0 =	rddreg [dreg:$0x0];
	s2 =	stileid.u32  }
0x50: {  	s1 =	rddreg [dreg:$0x1];
	p0 =	sne.s32 s2, $0x0  }
0x51: {  	s3 =	rddreg [dreg:$0x2];
	[bflag:$0x3] =	sbarrier.arrive $0xFFFF;
	s2 =	simm.s32 @!p0 $0x1C01  }
0x52: {  	[timem:s3], [sflag:s2] =	dma.local @!p0 [hbm:s0], s1  }
0x53: {  	s0 =	simm.s32 @!p0 $0x1  }
0x54: {  	_ =	swait.ge @!p0 [sflag:s0], s1  }
0x55: {  	s1 =	ssub.s32 @!p0 $0x0, s1;
	[sflag:s0] =	ssyncset.done @!p0 $0x0  }
0x56: {  	[sflag:s0] =	ssyncadd.s32 @!p0 s1  }
0x57: {  	[bflag:$0x3] =	sbarrier.arrive $0xFFFF  }
0x58: {  	_ =	shalt  }

</sc_bundles>
